<compile_context>
chip_gen: v7x
topology: tpu7x:2x2x1
jax: 0.10.2.dev20260603
libtpu: 0.0.44.dev20260713+nightly
codegen_flags: <defaults>
</compile_context>

<pallas_src>
import functools

import jax
import jax.numpy as jnp
from jax import lax
from jax.experimental import pallas as pl
from jax.experimental.pallas import tpu as pltpu
from jax.experimental.pallas import tpu_sc as plsc

N = 10000
E = 320000
HID = 128
HH = HID // 2
R = 8
NC, NS = 2, 16
CH = 128
W_CH = 8
WIN = CH * W_CH
N_W = 20
PER_T = WIN * N_W
E_PAD = NS * PER_T
NACC = 10112
ROWS_PER_TILE = NACC // NS
DEG_W = 16
NB = 10
BN = N // NB

_mesh = plsc.VectorSubcoreMesh(core_axis_name="c", subcore_axis_name="s")


def _sc_body(with_deg, hw_h, et_h, src_h, dst_h, zacc_h, *rest):
    if with_deg:
        (ones_h, zdeg_h, part_o, deg_o,
         et_v, src_v, gidx_v, dst_v, rows_v, ones_v, acc_sh, deg_sh, sem) = rest
    else:
        (part_o, et_v, src_v, gidx_v, dst_v, rows_v, acc_sh, sem) = rest

    cid = lax.axis_index("c")
    sid = lax.axis_index("s")

    @pl.when(sid == 0)
    def _zero():
        pltpu.sync_copy(zacc_h, acc_sh)

    if with_deg:
        @pl.when(jnp.logical_and(sid == 1, cid == 0))
        def _zero_deg():
            pltpu.sync_copy(zdeg_h, deg_sh)

    if with_deg:
        pltpu.sync_copy(ones_h, ones_v)

    plsc.subcore_barrier()

    def wbody(w, carry):
        pltpu.sync_copy(et_h.at[sid, w], et_v)
        pltpu.sync_copy(src_h.at[sid, w], src_v)
        pltpu.sync_copy(dst_h.at[sid, w], dst_v)

        def gbody(i, c):
            ev = et_v[pl.ds(i * 16, 16)]
            sv = src_v[pl.ds(i * 16, 16)]
            gidx_v[pl.ds(i * 16, 16)] = (ev * N + sv) * 2 + cid
            return c

        lax.fori_loop(0, WIN // 16, gbody, 0)

        def ebody(j, c):
            pltpu.async_copy(hw_h.at[gidx_v.at[pl.ds(j * CH, CH)]],
                             rows_v, sem).wait()
            pltpu.sync_copy(rows_v, acc_sh.at[dst_v.at[j]], add=True)
            if with_deg:
                @pl.when(cid == 0)
                def _deg():
                    pltpu.sync_copy(ones_v, deg_sh.at[dst_v.at[j]], add=True)
            return c

        lax.fori_loop(0, W_CH, ebody, 0)
        return carry

    lax.fori_loop(0, N_W, wbody, 0)

    plsc.subcore_barrier()

    r0 = sid * ROWS_PER_TILE
    pltpu.sync_copy(acc_sh.at[pl.ds(r0, ROWS_PER_TILE)],
                    part_o.at[cid, pl.ds(r0, ROWS_PER_TILE)])
    if with_deg:
        @pl.when(cid == 0)
        def _deg_out():
            pltpu.sync_copy(deg_sh.at[pl.ds(r0, ROWS_PER_TILE)],
                            deg_o.at[pl.ds(r0, ROWS_PER_TILE)])


def _make_sc(with_deg):
    out_type = [jax.ShapeDtypeStruct((NC, NACC, HH), jnp.float32)]
    scratch = [
        pltpu.VMEM((WIN,), jnp.int32),
        pltpu.VMEM((WIN,), jnp.int32),
        pltpu.VMEM((WIN,), jnp.int32),
        pltpu.VMEM((W_CH, CH), jnp.int32),
        pltpu.VMEM((CH, HH), jnp.float32),
    ]
    if with_deg:
        out_type.append(jax.ShapeDtypeStruct((NACC, DEG_W), jnp.float32))
        scratch.append(pltpu.VMEM((CH, DEG_W), jnp.float32))
    scratch.append(pltpu.VMEM_SHARED((NACC, HH), jnp.float32))
    if with_deg:
        scratch.append(pltpu.VMEM_SHARED((NACC, DEG_W), jnp.float32))
    scratch.append(pltpu.SemaphoreType.DMA)
    return pl.kernel(
        functools.partial(_sc_body, with_deg),
        out_type=tuple(out_type) if with_deg else out_type[0],
        mesh=_mesh,
        scratch_types=scratch,
        compiler_params=pltpu.CompilerParams(use_tc_tiling_on_sc=False),
    )


_sc_deg = _make_sc(True)
_sc_nodeg = _make_sc(False)


def _mm_body(h_ref, w_ref, o_ref):
    o_ref[0] = jnp.dot(h_ref[...], w_ref[0],
                       preferred_element_type=jnp.float32)


_mm = pl.pallas_call(
    _mm_body,
    grid=(R, NB),
    in_specs=[
        pl.BlockSpec((BN, HID), lambda r, i: (i, 0)),
        pl.BlockSpec((1, HID, HID), lambda r, i: (r, 0, 0)),
    ],
    out_specs=pl.BlockSpec((1, BN, HID), lambda r, i: (r, i, 0)),
    out_shape=jax.ShapeDtypeStruct((R, N, HID), jnp.float32),
)


def _comb_body(p_ref, d_ref, h_ref, w_ref, b_ref, o_ref):
    p = jnp.concatenate([p_ref[0], p_ref[1]], axis=1)
    dg = d_ref[:, 0:1]
    norm = jnp.where(dg > 0, 1.0 / jnp.maximum(dg, 1.0), 0.0)
    o_ref[...] = (p * norm
                  + jnp.dot(h_ref[...], w_ref[...],
                            preferred_element_type=jnp.float32)
                  + b_ref[...])


_combine = pl.pallas_call(
    _comb_body,
    grid=(NB,),
    in_specs=[
        pl.BlockSpec((NC, BN, HH), lambda i: (0, i, 0)),
        pl.BlockSpec((BN, DEG_W), lambda i: (i, 0)),
        pl.BlockSpec((BN, HID), lambda i: (i, 0)),
        pl.BlockSpec((HID, HID), lambda i: (0, 0)),
        pl.BlockSpec((1, HID), lambda i: (0, 0)),
    ],
    out_specs=pl.BlockSpec((BN, HID), lambda i: (i, 0)),
    out_shape=jax.ShapeDtypeStruct((N, HID), jnp.float32),
)


def kernel(node_id, edge_index, edge_type, emb_table, W_rel, W_loop, bias):
    src = edge_index[0].astype(jnp.int32)
    dst = edge_index[1].astype(jnp.int32)
    et = edge_type.astype(jnp.int32)
    pad = E_PAD - E
    et_h = jnp.concatenate([et, jnp.zeros((pad,), jnp.int32)]).reshape(
        NS, N_W, WIN)
    src_h = jnp.concatenate([src, jnp.zeros((pad,), jnp.int32)]).reshape(
        NS, N_W, WIN)
    dst_h = jnp.concatenate(
        [dst, jnp.full((pad,), N, jnp.int32)]).reshape(NS, N_W, W_CH, CH)
    zacc = jnp.zeros((NACC, HH), jnp.float32)
    zdeg = jnp.zeros((NACC, DEG_W), jnp.float32)
    ones_h = jnp.ones((CH, DEG_W), jnp.float32)

    h = emb_table
    deg = None
    for l in range(2):
        hw_half = _mm(h, W_rel[l]).reshape(2 * R * N, HH)
        if l == 0:
            parts, deg = _sc_deg(hw_half, et_h, src_h, dst_h,
                                 zacc, ones_h, zdeg)
        else:
            parts = _sc_nodeg(hw_half, et_h, src_h, dst_h, zacc)
        h = _combine(parts, deg, h, W_loop[l], bias[l].reshape(1, HID))
    return h

# --- scband reference (transcript-rebuilt; emitter-appended) ---
"""Pipeline reference for scband-rgcn-9749575762687 (READ-ONLY COPY).

The authoritative reference and input builder live on the scoring server;
editing this copy changes nothing except your own understanding.
"""

import jax, jax.numpy as jnp
import numpy as np

N_NODES = 10000
N_EDGES = 320000
HID = 128
NUM_REL = 8
N_LAYERS = 2


def setup_inputs(seed: int = 0) -> dict:
    key = jax.random.key(seed)
    ks = jax.random.split(key, 8)
    node_id = jnp.arange(N_NODES)
    edge_index = jax.random.randint(ks[0], (2, N_EDGES), 0, N_NODES)
    edge_type = jax.random.randint(ks[1], (N_EDGES,), 0, NUM_REL)
    emb_table = jax.random.normal(ks[2], (N_NODES, HID), dtype=jnp.float32) * 0.05
    W_rel = jax.random.normal(ks[3], (N_LAYERS, NUM_REL, HID, HID), dtype=jnp.float32) * 0.05
    W_loop = jax.random.normal(ks[4], (N_LAYERS, HID, HID), dtype=jnp.float32) * 0.05
    bias = jnp.zeros((N_LAYERS, HID), dtype=jnp.float32)
    return {
        "node_id": node_id,
        "edge_index": edge_index,
        "edge_type": edge_type,
        "emb_table": emb_table,
        "W_rel": W_rel,
        "W_loop": W_loop,
        "bias": bias,
    }


def _rgcn_forward(node_id, edge_index, edge_type, emb_table, W_rel, W_loop, bias):
    src = edge_index[0]
    dst = edge_index[1]
    # h = self.h_embedding(node_id)
    h = jnp.take(emb_table, node_id, axis=0)
    n = h.shape[0]
    # comp_edge_norm: per-dst-node norm = 1/in_degree (0 for isolated nodes),
    # broadcast to each edge via its dst node
    in_deg = jnp.bincount(dst, length=n).astype(jnp.float32)
    node_norm = jnp.where(in_deg > 0, 1.0 / jnp.maximum(in_deg, 1.0), 0.0)
    edge_norm = jnp.take(node_norm, dst, axis=0)
    # n_layers of RelGraphConv (basis regularizer, num_bases=None -> per-relation
    # weight; self_loop=True, bias=True, activation=None, dropout inactive at eval)
    for l in range(N_LAYERS):
        # per-relation transform of all nodes (low_mem style), then gather per edge
        hW = jnp.einsum('ni,rio->rno', h, W_rel[l])  # [R, N, HID]
        msg = hW[edge_type, src] * edge_norm[:, None]  # [E, HID]
        agg = jax.ops.segment_sum(msg, dst, num_segments=n)  # scatter-add to dst
        h = agg + h @ W_loop[l] + bias[l]
    return h


def reference(node_id, edge_index, edge_type, emb_table, W_rel, W_loop, bias):
    return _rgcn_forward(node_id, edge_index, edge_type, emb_table, W_rel, W_loop, bias)

if __name__ == "__main__":
    import jax
    _d = setup_inputs()
    print(jax.jit(kernel)(*tuple(_d.values())))

</pallas_src>

<mosaic_0001>
#map = affine_map<(d0, d1) -> (0, 0)>
#map1 = affine_map<(d0, d1) -> (0, 0, 0)>
#map2 = affine_map<(d0, d1) -> (0, 0, 0, 0)>
module attributes {stable_mosaic.version = 14 : i64} {
  func.func @_sc_body(%arg0: i32, %arg1: i32, %arg2: memref<160000x64xf32, #tpu.memory_space<hbm>>, %arg3: memref<16x20x1024xi32, #tpu.memory_space<hbm>>, %arg4: memref<16x20x1024xi32, #tpu.memory_space<hbm>>, %arg5: memref<16x20x8x128xi32, #tpu.memory_space<hbm>>, %arg6: memref<10112x64xf32, #tpu.memory_space<hbm>>, %arg7: memref<128x16xf32, #tpu.memory_space<hbm>>, %arg8: memref<10112x16xf32, #tpu.memory_space<hbm>>, %arg9: memref<2x10112x64xf32, #tpu.memory_space<hbm>>, %arg10: memref<10112x16xf32, #tpu.memory_space<hbm>>, %arg11: memref<1024xi32, #tpu.memory_space<vmem>>, %arg12: memref<1024xi32, #tpu.memory_space<vmem>>, %arg13: memref<1024xi32, #tpu.memory_space<vmem>>, %arg14: memref<8x128xi32, #tpu.memory_space<vmem>>, %arg15: memref<128x64xf32, #tpu.memory_space<vmem>>, %arg16: memref<128x16xf32, #tpu.memory_space<vmem>>, %arg17: memref<10112x64xf32, #tpu.memory_space<vmem_shared>>, %arg18: memref<10112x16xf32, #tpu.memory_space<vmem_shared>>, %arg19: memref<!tpu.dma_semaphore, #tpu.memory_space<semaphore_mem>>) attributes {dimension_semantics = [#tpu.dimension_semantics<core_parallel>, #tpu.dimension_semantics<subcore_parallel>], iteration_bounds = array<i64: 2, 16>, scalar_prefetch = 0 : i64, scratch_operands = 9 : i64, tpu.core_type = #tpu.core_type<sc_vector_subcore>, window_params = [{transform_indices = #map}, {transform_indices = #map1}, {transform_indices = #map1}, {transform_indices = #map2}, {transform_indices = #map}, {transform_indices = #map}, {transform_indices = #map}, {transform_indices = #map1}, {transform_indices = #map}]} {
    %eq3A = arith.constant 0 : i32
    %eq3A_0 = arith.cmpi eq, %arg1, %eq3A : i32
    %convert_element_type3A = arith.extui %eq3A_0 : i1 to i32
    %cond3A = arith.constant 0 : i32
    %cond3A_1 = arith.cmpi ne, %convert_element_type3A, %cond3A : i32
    scf.if %cond3A_1 {
      "tpu.region"() ({
        %run_scoped3A = tpu.sem_alloc : memref<!tpu.dma_semaphore, #tpu.memory_space<semaphore_mem>>
        tpu.enqueue_dma source(%arg6 : memref<10112x64xf32, #tpu.memory_space<hbm>>) target(%arg17 : memref<10112x64xf32, #tpu.memory_space<vmem_shared>>) target_semaphore(%run_scoped3A : memref<!tpu.dma_semaphore, #tpu.memory_space<semaphore_mem>>)
        tpu.wait_dma2 semaphore(%run_scoped3A : memref<!tpu.dma_semaphore, #tpu.memory_space<semaphore_mem>>) src(%arg6 : memref<10112x64xf32, #tpu.memory_space<hbm>>) dst(%arg17 : memref<10112x64xf32, #tpu.memory_space<vmem_shared>>)
        tpu.yield
      }) : () -> ()
    } else {
    }
    %eq3A_2 = arith.constant 1 : i32
    %eq3A_3 = arith.cmpi eq, %arg1, %eq3A_2 : i32
    %eq3A_4 = arith.constant 0 : i32
    %eq3A_5 = arith.cmpi eq, %arg0, %eq3A_4 : i32
    %and3A = arith.andi %eq3A_3, %eq3A_5 : i1
    %convert_element_type3A_6 = arith.extui %and3A : i1 to i32
    %cond3A_7 = arith.constant 0 : i32
    %cond3A_8 = arith.cmpi ne, %convert_element_type3A_6, %cond3A_7 : i32
    scf.if %cond3A_8 {
      "tpu.region"() ({
        %run_scoped3A = tpu.sem_alloc : memref<!tpu.dma_semaphore, #tpu.memory_space<semaphore_mem>>
        tpu.enqueue_dma source(%arg8 : memref<10112x16xf32, #tpu.memory_space<hbm>>) target(%arg18 : memref<10112x16xf32, #tpu.memory_space<vmem_shared>>) target_semaphore(%run_scoped3A : memref<!tpu.dma_semaphore, #tpu.memory_space<semaphore_mem>>)
        tpu.wait_dma2 semaphore(%run_scoped3A : memref<!tpu.dma_semaphore, #tpu.memory_space<semaphore_mem>>) src(%arg8 : memref<10112x16xf32, #tpu.memory_space<hbm>>) dst(%arg18 : memref<10112x16xf32, #tpu.memory_space<vmem_shared>>)
        tpu.yield
      }) : () -> ()
    } else {
    }
    "tpu.region"() ({
      %run_scoped3A = tpu.sem_alloc : memref<!tpu.dma_semaphore, #tpu.memory_space<semaphore_mem>>
      tpu.enqueue_dma source(%arg7 : memref<128x16xf32, #tpu.memory_space<hbm>>) target(%arg16 : memref<128x16xf32, #tpu.memory_space<vmem>>) target_semaphore(%run_scoped3A : memref<!tpu.dma_semaphore, #tpu.memory_space<semaphore_mem>>)
      tpu.wait_dma2 semaphore(%run_scoped3A : memref<!tpu.dma_semaphore, #tpu.memory_space<semaphore_mem>>) src(%arg7 : memref<128x16xf32, #tpu.memory_space<hbm>>) dst(%arg16 : memref<128x16xf32, #tpu.memory_space<vmem>>)
      tpu.yield
    }) : () -> ()
    %barrier3A = arith.constant 0 : index
    tpu.barrier barrier_id(%barrier3A)
    %scan3A = arith.constant 0 : i32
    %scan3A_9 = arith.constant 0 : i32
    %scan3A_10 = arith.constant 20 : i32
    %scan3A_11 = arith.addi %scan3A_9, %scan3A_10 : i32
    %scan3A_12 = arith.constant 1 : i32
    scf.for %scan3A_21 = %scan3A_9 to %scan3A_11 step %scan3A_12  : i32 {
      "tpu.region"() ({
        %run_scoped3A = tpu.sem_alloc : memref<!tpu.dma_semaphore, #tpu.memory_space<semaphore_mem>>
        %dma_start3A = arith.constant 0 : i32
        %dma_start3A_34 = tpu.memref_slice %arg3[%arg1, %scan3A_21, %dma_start3A] : memref<16x20x1024xi32, #tpu.memory_space<hbm>> -> memref<1x1x1024xi32, #tpu.memory_space<hbm>>
        %dma_start3A_35 = tpu.memref_squeeze %dma_start3A_34 : memref<1x1x1024xi32, #tpu.memory_space<hbm>> -> memref<1024xi32, #tpu.memory_space<hbm>>
        %dma_start3A_36 = arith.constant 0 : i32
        %dma_start3A_37 = tpu.memref_slice %arg3[%arg1, %scan3A_21, %dma_start3A_36] : memref<16x20x1024xi32, #tpu.memory_space<hbm>> -> memref<1x1x1024xi32, #tpu.memory_space<hbm>>
        %dma_start3A_38 = tpu.memref_squeeze %dma_start3A_37 : memref<1x1x1024xi32, #tpu.memory_space<hbm>> -> memref<1024xi32, #tpu.memory_space<hbm>>
        tpu.enqueue_dma source(%dma_start3A_38 : memref<1024xi32, #tpu.memory_space<hbm>>) target(%arg11 : memref<1024xi32, #tpu.memory_space<vmem>>) target_semaphore(%run_scoped3A : memref<!tpu.dma_semaphore, #tpu.memory_space<semaphore_mem>>)
        %dma_wait3A = arith.constant 0 : i32
        %dma_wait3A_39 = tpu.memref_slice %arg3[%arg1, %scan3A_21, %dma_wait3A] : memref<16x20x1024xi32, #tpu.memory_space<hbm>> -> memref<1x1x1024xi32, #tpu.memory_space<hbm>>
        %dma_wait3A_40 = tpu.memref_squeeze %dma_wait3A_39 : memref<1x1x1024xi32, #tpu.memory_space<hbm>> -> memref<1024xi32, #tpu.memory_space<hbm>>
        %dma_wait3A_41 = arith.constant 0 : i32
        %dma_wait3A_42 = tpu.memref_slice %arg3[%arg1, %scan3A_21, %dma_wait3A_41] : memref<16x20x1024xi32, #tpu.memory_space<hbm>> -> memref<1x1x1024xi32, #tpu.memory_space<hbm>>
        %dma_wait3A_43 = tpu.memref_squeeze %dma_wait3A_42 : memref<1x1x1024xi32, #tpu.memory_space<hbm>> -> memref<1024xi32, #tpu.memory_space<hbm>>
        tpu.wait_dma2 semaphore(%run_scoped3A : memref<!tpu.dma_semaphore, #tpu.memory_space<semaphore_mem>>) src(%dma_wait3A_43 : memref<1024xi32, #tpu.memory_space<hbm>>) dst(%arg11 : memref<1024xi32, #tpu.memory_space<vmem>>)
        tpu.yield
      }) : () -> ()
      "tpu.region"() ({
        %run_scoped3A = tpu.sem_alloc : memref<!tpu.dma_semaphore, #tpu.memory_space<semaphore_mem>>
        %dma_start3A = arith.constant 0 : i32
        %dma_start3A_34 = tpu.memref_slice %arg4[%arg1, %scan3A_21, %dma_start3A] : memref<16x20x1024xi32, #tpu.memory_space<hbm>> -> memref<1x1x1024xi32, #tpu.memory_space<hbm>>
        %dma_start3A_35 = tpu.memref_squeeze %dma_start3A_34 : memref<1x1x1024xi32, #tpu.memory_space<hbm>> -> memref<1024xi32, #tpu.memory_space<hbm>>
        %dma_start3A_36 = arith.constant 0 : i32
        %dma_start3A_37 = tpu.memref_slice %arg4[%arg1, %scan3A_21, %dma_start3A_36] : memref<16x20x1024xi32, #tpu.memory_space<hbm>> -> memref<1x1x1024xi32, #tpu.memory_space<hbm>>
        %dma_start3A_38 = tpu.memref_squeeze %dma_start3A_37 : memref<1x1x1024xi32, #tpu.memory_space<hbm>> -> memref<1024xi32, #tpu.memory_space<hbm>>
        tpu.enqueue_dma source(%dma_start3A_38 : memref<1024xi32, #tpu.memory_space<hbm>>) target(%arg12 : memref<1024xi32, #tpu.memory_space<vmem>>) target_semaphore(%run_scoped3A : memref<!tpu.dma_semaphore, #tpu.memory_space<semaphore_mem>>)
        %dma_wait3A = arith.constant 0 : i32
        %dma_wait3A_39 = tpu.memref_slice %arg4[%arg1, %scan3A_21, %dma_wait3A] : memref<16x20x1024xi32, #tpu.memory_space<hbm>> -> memref<1x1x1024xi32, #tpu.memory_space<hbm>>
        %dma_wait3A_40 = tpu.memref_squeeze %dma_wait3A_39 : memref<1x1x1024xi32, #tpu.memory_space<hbm>> -> memref<1024xi32, #tpu.memory_space<hbm>>
        %dma_wait3A_41 = arith.constant 0 : i32
        %dma_wait3A_42 = tpu.memref_slice %arg4[%arg1, %scan3A_21, %dma_wait3A_41] : memref<16x20x1024xi32, #tpu.memory_space<hbm>> -> memref<1x1x1024xi32, #tpu.memory_space<hbm>>
        %dma_wait3A_43 = tpu.memref_squeeze %dma_wait3A_42 : memref<1x1x1024xi32, #tpu.memory_space<hbm>> -> memref<1024xi32, #tpu.memory_space<hbm>>
        tpu.wait_dma2 semaphore(%run_scoped3A : memref<!tpu.dma_semaphore, #tpu.memory_space<semaphore_mem>>) src(%dma_wait3A_43 : memref<1024xi32, #tpu.memory_space<hbm>>) dst(%arg12 : memref<1024xi32, #tpu.memory_space<vmem>>)
        tpu.yield
      }) : () -> ()
      "tpu.region"() ({
        %run_scoped3A = tpu.sem_alloc : memref<!tpu.dma_semaphore, #tpu.memory_space<semaphore_mem>>
        %dma_start3A = arith.constant 0 : i32
        %dma_start3A_34 = arith.constant 0 : i32
        %dma_start3A_35 = tpu.memref_slice %arg5[%arg1, %scan3A_21, %dma_start3A, %dma_start3A_34] : memref<16x20x8x128xi32, #tpu.memory_space<hbm>> -> memref<1x1x8x128xi32, #tpu.memory_space<hbm>>
        %dma_start3A_36 = tpu.memref_squeeze %dma_start3A_35 : memref<1x1x8x128xi32, #tpu.memory_space<hbm>> -> memref<8x128xi32, #tpu.memory_space<hbm>>
        %dma_start3A_37 = arith.constant 0 : i32
        %dma_start3A_38 = arith.constant 0 : i32
        %dma_start3A_39 = tpu.memref_slice %arg5[%arg1, %scan3A_21, %dma_start3A_37, %dma_start3A_38] : memref<16x20x8x128xi32, #tpu.memory_space<hbm>> -> memref<1x1x8x128xi32, #tpu.memory_space<hbm>>
        %dma_start3A_40 = tpu.memref_squeeze %dma_start3A_39 : memref<1x1x8x128xi32, #tpu.memory_space<hbm>> -> memref<8x128xi32, #tpu.memory_space<hbm>>
        tpu.enqueue_dma source(%dma_start3A_40 : memref<8x128xi32, #tpu.memory_space<hbm>>) target(%arg14 : memref<8x128xi32, #tpu.memory_space<vmem>>) target_semaphore(%run_scoped3A : memref<!tpu.dma_semaphore, #tpu.memory_space<semaphore_mem>>)
        %dma_wait3A = arith.constant 0 : i32
        %dma_wait3A_41 = arith.constant 0 : i32
        %dma_wait3A_42 = tpu.memref_slice %arg5[%arg1, %scan3A_21, %dma_wait3A, %dma_wait3A_41] : memref<16x20x8x128xi32, #tpu.memory_space<hbm>> -> memref<1x1x8x128xi32, #tpu.memory_space<hbm>>
        %dma_wait3A_43 = tpu.memref_squeeze %dma_wait3A_42 : memref<1x1x8x128xi32, #tpu.memory_space<hbm>> -> memref<8x128xi32, #tpu.memory_space<hbm>>
        %dma_wait3A_44 = arith.constant 0 : i32
        %dma_wait3A_45 = arith.constant 0 : i32
        %dma_wait3A_46 = tpu.memref_slice %arg5[%arg1, %scan3A_21, %dma_wait3A_44, %dma_wait3A_45] : memref<16x20x8x128xi32, #tpu.memory_space<hbm>> -> memref<1x1x8x128xi32, #tpu.memory_space<hbm>>
        %dma_wait3A_47 = tpu.memref_squeeze %dma_wait3A_46 : memref<1x1x8x128xi32, #tpu.memory_space<hbm>> -> memref<8x128xi32, #tpu.memory_space<hbm>>
        tpu.wait_dma2 semaphore(%run_scoped3A : memref<!tpu.dma_semaphore, #tpu.memory_space<semaphore_mem>>) src(%dma_wait3A_47 : memref<8x128xi32, #tpu.memory_space<hbm>>) dst(%arg14 : memref<8x128xi32, #tpu.memory_space<vmem>>)
        tpu.yield
      }) : () -> ()
      %scan3A_22 = arith.constant 0 : i32
      %scan3A_23 = arith.constant 0 : i32
      %scan3A_24 = arith.constant 64 : i32
      %scan3A_25 = arith.addi %scan3A_23, %scan3A_24 : i32
      %scan3A_26 = arith.constant 1 : i32
      scf.for %scan3A_34 = %scan3A_23 to %scan3A_25 step %scan3A_26  : i32 {
        %mul3A_35 = arith.constant 16 : i32
        %mul3A_36 = arith.muli %scan3A_34, %mul3A_35 : i32
        %get3A = arith.index_cast %mul3A_36 : i32 to index
        %get3A_37 = tpu.vector_load %arg11[%get3A] {strides = array<i32>} : memref<1024xi32, #tpu.memory_space<vmem>>, vector<16xi32>,
        %get3A_38 = vector.shape_cast %get3A_37 : vector<16xi32> to vector<16xi32>
        %mul3A_39 = arith.constant 16 : i32
        %mul3A_40 = arith.muli %scan3A_34, %mul3A_39 : i32
        %get3A_41 = arith.index_cast %mul3A_40 : i32 to index
        %get3A_42 = tpu.vector_load %arg12[%get3A_41] {strides = array<i32>} : memref<1024xi32, #tpu.memory_space<vmem>>, vector<16xi32>,
        %get3A_43 = vector.shape_cast %get3A_42 : vector<16xi32> to vector<16xi32>
        %mul3A_44 = arith.constant 10000 : i32
        %mul3A_45 = vector.broadcast %mul3A_44 : i32 to vector<16xi32>
        %mul3A_46 = arith.muli %get3A_38, %mul3A_45 : vector<16xi32>
        %add3A = arith.addi %mul3A_46, %get3A_43 : vector<16xi32>
        %mul3A_47 = arith.constant 2 : i32
        %mul3A_48 = vector.broadcast %mul3A_47 : i32 to vector<16xi32>
        %mul3A_49 = arith.muli %add3A, %mul3A_48 : vector<16xi32>
        %add3A_50 = vector.broadcast %arg0 : i32 to vector<16xi32>
        %add3A_51 = arith.addi %mul3A_49, %add3A_50 : vector<16xi32>
        %mul3A_52 = arith.constant 16 : i32
        %mul3A_53 = arith.muli %scan3A_34, %mul3A_52 : i32
        %swap3A = arith.index_cast %mul3A_53 : i32 to index
        %swap3A_54 = tpu.vector_load %arg13[%swap3A] {strides = array<i32>} : memref<1024xi32, #tpu.memory_space<vmem>>, vector<16xi32>,
        %swap3A_55 = vector.shape_cast %swap3A_54 : vector<16xi32> to vector<16xi32>
        %swap3A_56 = vector.shape_cast %add3A_51 : vector<16xi32> to vector<16xi32>
        tpu.vector_store %arg13[%swap3A], %swap3A_56 {strides = array<i32>} : memref<1024xi32, #tpu.memory_space<vmem>>, vector<16xi32>,
      }
      %scan3A_27 = arith.constant 64 : i32
      %scan3A_28 = arith.constant 0 : i32
      %scan3A_29 = arith.constant 0 : i32
      %scan3A_30 = arith.constant 8 : i32
      %scan3A_31 = arith.addi %scan3A_29, %scan3A_30 : i32
      %scan3A_32 = arith.constant 1 : i32
      scf.for %scan3A_34 = %scan3A_29 to %scan3A_31 step %scan3A_32  : i32 {
        %mul3A_35 = arith.constant 128 : i32
        %mul3A_36 = arith.muli %scan3A_34, %mul3A_35 : i32
        %dma_start3A = tpu.memref_slice %arg13[%mul3A_36] : memref<1024xi32, #tpu.memory_space<vmem>> -> memref<128xi32, #tpu.memory_space<vmem>>
        %dma_start3A_37 = arith.constant 0 : i32
        %dma_start3A_38 = arith.constant 0 : i32
        %dma_start3A_39 = tpu.memref_slice %arg2[%dma_start3A_37, %dma_start3A_38] : memref<160000x64xf32, #tpu.memory_space<hbm>> -> memref<160000x64xf32, #tpu.memory_space<hbm>>
        tpu.enqueue_indirect_dma source(%dma_start3A_39 : memref<160000x64xf32, #tpu.memory_space<hbm>>) target(%arg15 : memref<128x64xf32, #tpu.memory_space<vmem>>) offsets(%dma_start3A : memref<128xi32, #tpu.memory_space<vmem>>) semaphore(%arg19 : memref<!tpu.dma_semaphore, #tpu.memory_space<semaphore_mem>>)
        %dma_wait3A = tpu.memref_slice %arg13[%mul3A_36] : memref<1024xi32, #tpu.memory_space<vmem>> -> memref<128xi32, #tpu.memory_space<vmem>>
        %dma_wait3A_40 = arith.constant 0 : i32
        %dma_wait3A_41 = arith.constant 0 : i32
        %dma_wait3A_42 = tpu.memref_slice %arg2[%dma_wait3A_40, %dma_wait3A_41] : memref<160000x64xf32, #tpu.memory_space<hbm>> -> memref<160000x64xf32, #tpu.memory_space<hbm>>
        tpu.wait_indirect_dma semaphore(%arg19 : memref<!tpu.dma_semaphore, #tpu.memory_space<semaphore_mem>>) src(%dma_wait3A_42 : memref<160000x64xf32, #tpu.memory_space<hbm>>) dst(%arg15 : memref<128x64xf32, #tpu.memory_space<vmem>>)
        "tpu.region"() ({
          %run_scoped3A = tpu.sem_alloc : memref<!tpu.dma_semaphore, #tpu.memory_space<semaphore_mem>>
          %dma_start3A_48 = arith.constant 0 : i32
          %dma_start3A_49 = tpu.memref_slice %arg14[%scan3A_34, %dma_start3A_48] : memref<8x128xi32, #tpu.memory_space<vmem>> -> memref<1x128xi32, #tpu.memory_space<vmem>>
          %dma_start3A_50 = tpu.memref_squeeze %dma_start3A_49 : memref<1x128xi32, #tpu.memory_space<vmem>> -> memref<128xi32, #tpu.memory_space<vmem>>
          %dma_start3A_51 = arith.constant 0 : i32
          %dma_start3A_52 = arith.constant 0 : i32
          %dma_start3A_53 = tpu.memref_slice %arg17[%dma_start3A_51, %dma_start3A_52] : memref<10112x64xf32, #tpu.memory_space<vmem_shared>> -> memref<10112x64xf32, #tpu.memory_space<vmem_shared>>
          tpu.enqueue_indirect_dma source(%arg15 : memref<128x64xf32, #tpu.memory_space<vmem>>) target(%dma_start3A_53 : memref<10112x64xf32, #tpu.memory_space<vmem_shared>>) offsets(%dma_start3A_50 : memref<128xi32, #tpu.memory_space<vmem>>) semaphore(%run_scoped3A : memref<!tpu.dma_semaphore, #tpu.memory_space<semaphore_mem>>) {add = true}
          %dma_wait3A_54 = arith.constant 0 : i32
          %dma_wait3A_55 = tpu.memref_slice %arg14[%scan3A_34, %dma_wait3A_54] : memref<8x128xi32, #tpu.memory_space<vmem>> -> memref<1x128xi32, #tpu.memory_space<vmem>>
          %dma_wait3A_56 = tpu.memref_squeeze %dma_wait3A_55 : memref<1x128xi32, #tpu.memory_space<vmem>> -> memref<128xi32, #tpu.memory_space<vmem>>
          %dma_wait3A_57 = arith.constant 0 : i32
          %dma_wait3A_58 = arith.constant 0 : i32
          %dma_wait3A_59 = tpu.memref_slice %arg17[%dma_wait3A_57, %dma_wait3A_58] : memref<10112x64xf32, #tpu.memory_space<vmem_shared>> -> memref<10112x64xf32, #tpu.memory_space<vmem_shared>>
          tpu.wait_indirect_dma semaphore(%run_scoped3A : memref<!tpu.dma_semaphore, #tpu.memory_space<semaphore_mem>>) src(%arg15 : memref<128x64xf32, #tpu.memory_space<vmem>>) dst(%dma_wait3A_59 : memref<10112x64xf32, #tpu.memory_space<vmem_shared>>)
          tpu.yield
        }) : () -> ()
        %eq3A_43 = arith.constant 0 : i32
        %eq3A_44 = arith.cmpi eq, %arg0, %eq3A_43 : i32
        %convert_element_type3A_45 = arith.extui %eq3A_44 : i1 to i32
        %cond3A_46 = arith.constant 0 : i32
        %cond3A_47 = arith.cmpi ne, %convert_element_type3A_45, %cond3A_46 : i32
        scf.if %cond3A_47 {
          "tpu.region"() ({
            %run_scoped3A = tpu.sem_alloc : memref<!tpu.dma_semaphore, #tpu.memory_space<semaphore_mem>>
            %dma_start3A_48 = arith.constant 0 : i32
            %dma_start3A_49 = tpu.memref_slice %arg14[%scan3A_34, %dma_start3A_48] : memref<8x128xi32, #tpu.memory_space<vmem>> -> memref<1x128xi32, #tpu.memory_space<vmem>>
            %dma_start3A_50 = tpu.memref_squeeze %dma_start3A_49 : memref<1x128xi32, #tpu.memory_space<vmem>> -> memref<128xi32, #tpu.memory_space<vmem>>
            %dma_start3A_51 = arith.constant 0 : i32
            %dma_start3A_52 = arith.constant 0 : i32
            %dma_start3A_53 = tpu.memref_slice %arg18[%dma_start3A_51, %dma_start3A_52] : memref<10112x16xf32, #tpu.memory_space<vmem_shared>> -> memref<10112x16xf32, #tpu.memory_space<vmem_shared>>
            tpu.enqueue_indirect_dma source(%arg16 : memref<128x16xf32, #tpu.memory_space<vmem>>) target(%dma_start3A_53 : memref<10112x16xf32, #tpu.memory_space<vmem_shared>>) offsets(%dma_start3A_50 : memref<128xi32, #tpu.memory_space<vmem>>) semaphore(%run_scoped3A : memref<!tpu.dma_semaphore, #tpu.memory_space<semaphore_mem>>) {add = true}
            %dma_wait3A_54 = arith.constant 0 : i32
            %dma_wait3A_55 = tpu.memref_slice %arg14[%scan3A_34, %dma_wait3A_54] : memref<8x128xi32, #tpu.memory_space<vmem>> -> memref<1x128xi32, #tpu.memory_space<vmem>>
            %dma_wait3A_56 = tpu.memref_squeeze %dma_wait3A_55 : memref<1x128xi32, #tpu.memory_space<vmem>> -> memref<128xi32, #tpu.memory_space<vmem>>
            %dma_wait3A_57 = arith.constant 0 : i32
            %dma_wait3A_58 = arith.constant 0 : i32
            %dma_wait3A_59 = tpu.memref_slice %arg18[%dma_wait3A_57, %dma_wait3A_58] : memref<10112x16xf32, #tpu.memory_space<vmem_shared>> -> memref<10112x16xf32, #tpu.memory_space<vmem_shared>>
            tpu.wait_indirect_dma semaphore(%run_scoped3A : memref<!tpu.dma_semaphore, #tpu.memory_space<semaphore_mem>>) src(%arg16 : memref<128x16xf32, #tpu.memory_space<vmem>>) dst(%dma_wait3A_59 : memref<10112x16xf32, #tpu.memory_space<vmem_shared>>)
            tpu.yield
          }) : () -> ()
        } else {
        }
      }
      %scan3A_33 = arith.constant 8 : i32
    }
    %scan3A_13 = arith.constant 20 : i32
    %barrier3A_14 = arith.constant 0 : index
    tpu.barrier barrier_id(%barrier3A_14)
    %mul3A = arith.constant 632 : i32
    %mul3A_15 = arith.muli %arg1, %mul3A : i32
    "tpu.region"() ({
      %run_scoped3A = tpu.sem_alloc : memref<!tpu.dma_semaphore, #tpu.memory_space<semaphore_mem>>
      %dma_start3A = arith.constant 0 : i32
      %dma_start3A_21 = tpu.memref_slice %arg9[%arg0, %mul3A_15, %dma_start3A] : memref<2x10112x64xf32, #tpu.memory_space<hbm>> -> memref<1x632x64xf32, #tpu.memory_space<hbm>>
      %dma_start3A_22 = tpu.memref_squeeze %dma_start3A_21 : memref<1x632x64xf32, #tpu.memory_space<hbm>> -> memref<632x64xf32, #tpu.memory_space<hbm>>
      %dma_start3A_23 = arith.constant 0 : i32
      %dma_start3A_24 = tpu.memref_slice %arg17[%mul3A_15, %dma_start3A_23] : memref<10112x64xf32, #tpu.memory_space<vmem_shared>> -> memref<632x64xf32, #tpu.memory_space<vmem_shared>>
      tpu.enqueue_dma source(%dma_start3A_24 : memref<632x64xf32, #tpu.memory_space<vmem_shared>>) target(%dma_start3A_22 : memref<632x64xf32, #tpu.memory_space<hbm>>) target_semaphore(%run_scoped3A : memref<!tpu.dma_semaphore, #tpu.memory_space<semaphore_mem>>)
      %dma_wait3A = arith.constant 0 : i32
      %dma_wait3A_25 = tpu.memref_slice %arg9[%arg0, %mul3A_15, %dma_wait3A] : memref<2x10112x64xf32, #tpu.memory_space<hbm>> -> memref<1x632x64xf32, #tpu.memory_space<hbm>>
      %dma_wait3A_26 = tpu.memref_squeeze %dma_wait3A_25 : memref<1x632x64xf32, #tpu.memory_space<hbm>> -> memref<632x64xf32, #tpu.memory_space<hbm>>
      %dma_wait3A_27 = arith.constant 0 : i32
      %dma_wait3A_28 = tpu.memref_slice %arg17[%mul3A_15, %dma_wait3A_27] : memref<10112x64xf32, #tpu.memory_space<vmem_shared>> -> memref<632x64xf32, #tpu.memory_space<vmem_shared>>
      tpu.wait_dma2 semaphore(%run_scoped3A : memref<!tpu.dma_semaphore, #tpu.memory_space<semaphore_mem>>) src(%dma_wait3A_28 : memref<632x64xf32, #tpu.memory_space<vmem_shared>>) dst(%dma_wait3A_26 : memref<632x64xf32, #tpu.memory_space<hbm>>)
      tpu.yield
    }) : () -> ()
    %eq3A_16 = arith.constant 0 : i32
    %eq3A_17 = arith.cmpi eq, %arg0, %eq3A_16 : i32
    %convert_element_type3A_18 = arith.extui %eq3A_17 : i1 to i32
    %cond3A_19 = arith.constant 0 : i32
    %cond3A_20 = arith.cmpi ne, %convert_element_type3A_18, %cond3A_19 : i32
    scf.if %cond3A_20 {
      "tpu.region"() ({
        %run_scoped3A = tpu.sem_alloc : memref<!tpu.dma_semaphore, #tpu.memory_space<semaphore_mem>>
        %dma_start3A = arith.constant 0 : i32
        %dma_start3A_21 = tpu.memref_slice %arg10[%mul3A_15, %dma_start3A] : memref<10112x16xf32, #tpu.memory_space<hbm>> -> memref<632x16xf32, #tpu.memory_space<hbm>>
        %dma_start3A_22 = arith.constant 0 : i32
        %dma_start3A_23 = tpu.memref_slice %arg18[%mul3A_15, %dma_start3A_22] : memref<10112x16xf32, #tpu.memory_space<vmem_shared>> -> memref<632x16xf32, #tpu.memory_space<vmem_shared>>
        tpu.enqueue_dma source(%dma_start3A_23 : memref<632x16xf32, #tpu.memory_space<vmem_shared>>) target(%dma_start3A_21 : memref<632x16xf32, #tpu.memory_space<hbm>>) target_semaphore(%run_scoped3A : memref<!tpu.dma_semaphore, #tpu.memory_space<semaphore_mem>>)
        %dma_wait3A = arith.constant 0 : i32
        %dma_wait3A_24 = tpu.memref_slice %arg10[%mul3A_15, %dma_wait3A] : memref<10112x16xf32, #tpu.memory_space<hbm>> -> memref<632x16xf32, #tpu.memory_space<hbm>>
        %dma_wait3A_25 = arith.constant 0 : i32
        %dma_wait3A_26 = tpu.memref_slice %arg18[%mul3A_15, %dma_wait3A_25] : memref<10112x16xf32, #tpu.memory_space<vmem_shared>> -> memref<632x16xf32, #tpu.memory_space<vmem_shared>>
        tpu.wait_dma2 semaphore(%run_scoped3A : memref<!tpu.dma_semaphore, #tpu.memory_space<semaphore_mem>>) src(%dma_wait3A_26 : memref<632x16xf32, #tpu.memory_space<vmem_shared>>) dst(%dma_wait3A_24 : memref<632x16xf32, #tpu.memory_space<hbm>>)
        tpu.yield
      }) : () -> ()
    } else {
    }
    return
  }
}

#map = affine_map<(d0, d1) -> (0, 0)>
#map1 = affine_map<(d0, d1) -> (0, 0, 0)>
#map2 = affine_map<(d0, d1) -> (0, 0, 0, 0)>
module attributes {stable_mosaic.version = 14 : i64} {
  func.func @_sc_body(%arg0: i32, %arg1: i32, %arg2: memref<160000x64xf32, #tpu.memory_space<hbm>>, %arg3: memref<16x20x1024xi32, #tpu.memory_space<hbm>>, %arg4: memref<16x20x1024xi32, #tpu.memory_space<hbm>>, %arg5: memref<16x20x8x128xi32, #tpu.memory_space<hbm>>, %arg6: memref<10112x64xf32, #tpu.memory_space<hbm>>, %arg7: memref<2x10112x64xf32, #tpu.memory_space<hbm>>, %arg8: memref<1024xi32, #tpu.memory_space<vmem>>, %arg9: memref<1024xi32, #tpu.memory_space<vmem>>, %arg10: memref<1024xi32, #tpu.memory_space<vmem>>, %arg11: memref<8x128xi32, #tpu.memory_space<vmem>>, %arg12: memref<128x64xf32, #tpu.memory_space<vmem>>, %arg13: memref<10112x64xf32, #tpu.memory_space<vmem_shared>>, %arg14: memref<!tpu.dma_semaphore, #tpu.memory_space<semaphore_mem>>) attributes {dimension_semantics = [#tpu.dimension_semantics<core_parallel>, #tpu.dimension_semantics<subcore_parallel>], iteration_bounds = array<i64: 2, 16>, scalar_prefetch = 0 : i64, scratch_operands = 7 : i64, tpu.core_type = #tpu.core_type<sc_vector_subcore>, window_params = [{transform_indices = #map}, {transform_indices = #map1}, {transform_indices = #map1}, {transform_indices = #map2}, {transform_indices = #map}, {transform_indices = #map1}]} {
    %eq3A = arith.constant 0 : i32
    %eq3A_0 = arith.cmpi eq, %arg1, %eq3A : i32
    %convert_element_type3A = arith.extui %eq3A_0 : i1 to i32
    %cond3A = arith.constant 0 : i32
    %cond3A_1 = arith.cmpi ne, %convert_element_type3A, %cond3A : i32
    scf.if %cond3A_1 {
      "tpu.region"() ({
        %run_scoped3A = tpu.sem_alloc : memref<!tpu.dma_semaphore, #tpu.memory_space<semaphore_mem>>
        tpu.enqueue_dma source(%arg6 : memref<10112x64xf32, #tpu.memory_space<hbm>>) target(%arg13 : memref<10112x64xf32, #tpu.memory_space<vmem_shared>>) target_semaphore(%run_scoped3A : memref<!tpu.dma_semaphore, #tpu.memory_space<semaphore_mem>>)
        tpu.wait_dma2 semaphore(%run_scoped3A : memref<!tpu.dma_semaphore, #tpu.memory_space<semaphore_mem>>) src(%arg6 : memref<10112x64xf32, #tpu.memory_space<hbm>>) dst(%arg13 : memref<10112x64xf32, #tpu.memory_space<vmem_shared>>)
        tpu.yield
      }) : () -> ()
    } else {
    }
    %barrier3A = arith.constant 0 : index
    tpu.barrier barrier_id(%barrier3A)
    %scan3A = arith.constant 0 : i32
    %scan3A_2 = arith.constant 0 : i32
    %scan3A_3 = arith.constant 20 : i32
    %scan3A_4 = arith.addi %scan3A_2, %scan3A_3 : i32
    %scan3A_5 = arith.constant 1 : i32
    scf.for %scan3A_9 = %scan3A_2 to %scan3A_4 step %scan3A_5  : i32 {
      "tpu.region"() ({
        %run_scoped3A = tpu.sem_alloc : memref<!tpu.dma_semaphore, #tpu.memory_space<semaphore_mem>>
        %dma_start3A = arith.constant 0 : i32
        %dma_start3A_22 = tpu.memref_slice %arg3[%arg1, %scan3A_9, %dma_start3A] : memref<16x20x1024xi32, #tpu.memory_space<hbm>> -> memref<1x1x1024xi32, #tpu.memory_space<hbm>>
        %dma_start3A_23 = tpu.memref_squeeze %dma_start3A_22 : memref<1x1x1024xi32, #tpu.memory_space<hbm>> -> memref<1024xi32, #tpu.memory_space<hbm>>
        %dma_start3A_24 = arith.constant 0 : i32
        %dma_start3A_25 = tpu.memref_slice %arg3[%arg1, %scan3A_9, %dma_start3A_24] : memref<16x20x1024xi32, #tpu.memory_space<hbm>> -> memref<1x1x1024xi32, #tpu.memory_space<hbm>>
        %dma_start3A_26 = tpu.memref_squeeze %dma_start3A_25 : memref<1x1x1024xi32, #tpu.memory_space<hbm>> -> memref<1024xi32, #tpu.memory_space<hbm>>
        tpu.enqueue_dma source(%dma_start3A_26 : memref<1024xi32, #tpu.memory_space<hbm>>) target(%arg8 : memref<1024xi32, #tpu.memory_space<vmem>>) target_semaphore(%run_scoped3A : memref<!tpu.dma_semaphore, #tpu.memory_space<semaphore_mem>>)
        %dma_wait3A = arith.constant 0 : i32
        %dma_wait3A_27 = tpu.memref_slice %arg3[%arg1, %scan3A_9, %dma_wait3A] : memref<16x20x1024xi32, #tpu.memory_space<hbm>> -> memref<1x1x1024xi32, #tpu.memory_space<hbm>>
        %dma_wait3A_28 = tpu.memref_squeeze %dma_wait3A_27 : memref<1x1x1024xi32, #tpu.memory_space<hbm>> -> memref<1024xi32, #tpu.memory_space<hbm>>
        %dma_wait3A_29 = arith.constant 0 : i32
        %dma_wait3A_30 = tpu.memref_slice %arg3[%arg1, %scan3A_9, %dma_wait3A_29] : memref<16x20x1024xi32, #tpu.memory_space<hbm>> -> memref<1x1x1024xi32, #tpu.memory_space<hbm>>
        %dma_wait3A_31 = tpu.memref_squeeze %dma_wait3A_30 : memref<1x1x1024xi32, #tpu.memory_space<hbm>> -> memref<1024xi32, #tpu.memory_space<hbm>>
        tpu.wait_dma2 semaphore(%run_scoped3A : memref<!tpu.dma_semaphore, #tpu.memory_space<semaphore_mem>>) src(%dma_wait3A_31 : memref<1024xi32, #tpu.memory_space<hbm>>) dst(%arg8 : memref<1024xi32, #tpu.memory_space<vmem>>)
        tpu.yield
      }) : () -> ()
      "tpu.region"() ({
        %run_scoped3A = tpu.sem_alloc : memref<!tpu.dma_semaphore, #tpu.memory_space<semaphore_mem>>
        %dma_start3A = arith.constant 0 : i32
        %dma_start3A_22 = tpu.memref_slice %arg4[%arg1, %scan3A_9, %dma_start3A] : memref<16x20x1024xi32, #tpu.memory_space<hbm>> -> memref<1x1x1024xi32, #tpu.memory_space<hbm>>
        %dma_start3A_23 = tpu.memref_squeeze %dma_start3A_22 : memref<1x1x1024xi32, #tpu.memory_space<hbm>> -> memref<1024xi32, #tpu.memory_space<hbm>>
        %dma_start3A_24 = arith.constant 0 : i32
        %dma_start3A_25 = tpu.memref_slice %arg4[%arg1, %scan3A_9, %dma_start3A_24] : memref<16x20x1024xi32, #tpu.memory_space<hbm>> -> memref<1x1x1024xi32, #tpu.memory_space<hbm>>
        %dma_start3A_26 = tpu.memref_squeeze %dma_start3A_25 : memref<1x1x1024xi32, #tpu.memory_space<hbm>> -> memref<1024xi32, #tpu.memory_space<hbm>>
        tpu.enqueue_dma source(%dma_start3A_26 : memref<1024xi32, #tpu.memory_space<hbm>>) target(%arg9 : memref<1024xi32, #tpu.memory_space<vmem>>) target_semaphore(%run_scoped3A : memref<!tpu.dma_semaphore, #tpu.memory_space<semaphore_mem>>)
        %dma_wait3A = arith.constant 0 : i32
        %dma_wait3A_27 = tpu.memref_slice %arg4[%arg1, %scan3A_9, %dma_wait3A] : memref<16x20x1024xi32, #tpu.memory_space<hbm>> -> memref<1x1x1024xi32, #tpu.memory_space<hbm>>
        %dma_wait3A_28 = tpu.memref_squeeze %dma_wait3A_27 : memref<1x1x1024xi32, #tpu.memory_space<hbm>> -> memref<1024xi32, #tpu.memory_space<hbm>>
        %dma_wait3A_29 = arith.constant 0 : i32
        %dma_wait3A_30 = tpu.memref_slice %arg4[%arg1, %scan3A_9, %dma_wait3A_29] : memref<16x20x1024xi32, #tpu.memory_space<hbm>> -> memref<1x1x1024xi32, #tpu.memory_space<hbm>>
        %dma_wait3A_31 = tpu.memref_squeeze %dma_wait3A_30 : memref<1x1x1024xi32, #tpu.memory_space<hbm>> -> memref<1024xi32, #tpu.memory_space<hbm>>
        tpu.wait_dma2 semaphore(%run_scoped3A : memref<!tpu.dma_semaphore, #tpu.memory_space<semaphore_mem>>) src(%dma_wait3A_31 : memref<1024xi32, #tpu.memory_space<hbm>>) dst(%arg9 : memref<1024xi32, #tpu.memory_space<vmem>>)
        tpu.yield
      }) : () -> ()
      "tpu.region"() ({
        %run_scoped3A = tpu.sem_alloc : memref<!tpu.dma_semaphore, #tpu.memory_space<semaphore_mem>>
        %dma_start3A = arith.constant 0 : i32
        %dma_start3A_22 = arith.constant 0 : i32
        %dma_start3A_23 = tpu.memref_slice %arg5[%arg1, %scan3A_9, %dma_start3A, %dma_start3A_22] : memref<16x20x8x128xi32, #tpu.memory_space<hbm>> -> memref<1x1x8x128xi32, #tpu.memory_space<hbm>>
        %dma_start3A_24 = tpu.memref_squeeze %dma_start3A_23 : memref<1x1x8x128xi32, #tpu.memory_space<hbm>> -> memref<8x128xi32, #tpu.memory_space<hbm>>
        %dma_start3A_25 = arith.constant 0 : i32
        %dma_start3A_26 = arith.constant 0 : i32
        %dma_start3A_27 = tpu.memref_slice %arg5[%arg1, %scan3A_9, %dma_start3A_25, %dma_start3A_26] : memref<16x20x8x128xi32, #tpu.memory_space<hbm>> -> memref<1x1x8x128xi32, #tpu.memory_space<hbm>>
        %dma_start3A_28 = tpu.memref_squeeze %dma_start3A_27 : memref<1x1x8x128xi32, #tpu.memory_space<hbm>> -> memref<8x128xi32, #tpu.memory_space<hbm>>
        tpu.enqueue_dma source(%dma_start3A_28 : memref<8x128xi32, #tpu.memory_space<hbm>>) target(%arg11 : memref<8x128xi32, #tpu.memory_space<vmem>>) target_semaphore(%run_scoped3A : memref<!tpu.dma_semaphore, #tpu.memory_space<semaphore_mem>>)
        %dma_wait3A = arith.constant 0 : i32
        %dma_wait3A_29 = arith.constant 0 : i32
        %dma_wait3A_30 = tpu.memref_slice %arg5[%arg1, %scan3A_9, %dma_wait3A, %dma_wait3A_29] : memref<16x20x8x128xi32, #tpu.memory_space<hbm>> -> memref<1x1x8x128xi32, #tpu.memory_space<hbm>>
        %dma_wait3A_31 = tpu.memref_squeeze %dma_wait3A_30 : memref<1x1x8x128xi32, #tpu.memory_space<hbm>> -> memref<8x128xi32, #tpu.memory_space<hbm>>
        %dma_wait3A_32 = arith.constant 0 : i32
        %dma_wait3A_33 = arith.constant 0 : i32
        %dma_wait3A_34 = tpu.memref_slice %arg5[%arg1, %scan3A_9, %dma_wait3A_32, %dma_wait3A_33] : memref<16x20x8x128xi32, #tpu.memory_space<hbm>> -> memref<1x1x8x128xi32, #tpu.memory_space<hbm>>
        %dma_wait3A_35 = tpu.memref_squeeze %dma_wait3A_34 : memref<1x1x8x128xi32, #tpu.memory_space<hbm>> -> memref<8x128xi32, #tpu.memory_space<hbm>>
        tpu.wait_dma2 semaphore(%run_scoped3A : memref<!tpu.dma_semaphore, #tpu.memory_space<semaphore_mem>>) src(%dma_wait3A_35 : memref<8x128xi32, #tpu.memory_space<hbm>>) dst(%arg11 : memref<8x128xi32, #tpu.memory_space<vmem>>)
        tpu.yield
      }) : () -> ()
      %scan3A_10 = arith.constant 0 : i32
      %scan3A_11 = arith.constant 0 : i32
      %scan3A_12 = arith.constant 64 : i32
      %scan3A_13 = arith.addi %scan3A_11, %scan3A_12 : i32
      %scan3A_14 = arith.constant 1 : i32
      scf.for %scan3A_22 = %scan3A_11 to %scan3A_13 step %scan3A_14  : i32 {
        %mul3A_23 = arith.constant 16 : i32
        %mul3A_24 = arith.muli %scan3A_22, %mul3A_23 : i32
        %get3A = arith.index_cast %mul3A_24 : i32 to index
        %get3A_25 = tpu.vector_load %arg8[%get3A] {strides = array<i32>} : memref<1024xi32, #tpu.memory_space<vmem>>, vector<16xi32>,
        %get3A_26 = vector.shape_cast %get3A_25 : vector<16xi32> to vector<16xi32>
        %mul3A_27 = arith.constant 16 : i32
        %mul3A_28 = arith.muli %scan3A_22, %mul3A_27 : i32
        %get3A_29 = arith.index_cast %mul3A_28 : i32 to index
        %get3A_30 = tpu.vector_load %arg9[%get3A_29] {strides = array<i32>} : memref<1024xi32, #tpu.memory_space<vmem>>, vector<16xi32>,
        %get3A_31 = vector.shape_cast %get3A_30 : vector<16xi32> to vector<16xi32>
        %mul3A_32 = arith.constant 10000 : i32
        %mul3A_33 = vector.broadcast %mul3A_32 : i32 to vector<16xi32>
        %mul3A_34 = arith.muli %get3A_26, %mul3A_33 : vector<16xi32>
        %add3A = arith.addi %mul3A_34, %get3A_31 : vector<16xi32>
        %mul3A_35 = arith.constant 2 : i32
        %mul3A_36 = vector.broadcast %mul3A_35 : i32 to vector<16xi32>
        %mul3A_37 = arith.muli %add3A, %mul3A_36 : vector<16xi32>
        %add3A_38 = vector.broadcast %arg0 : i32 to vector<16xi32>
        %add3A_39 = arith.addi %mul3A_37, %add3A_38 : vector<16xi32>
        %mul3A_40 = arith.constant 16 : i32
        %mul3A_41 = arith.muli %scan3A_22, %mul3A_40 : i32
        %swap3A = arith.index_cast %mul3A_41 : i32 to index
        %swap3A_42 = tpu.vector_load %arg10[%swap3A] {strides = array<i32>} : memref<1024xi32, #tpu.memory_space<vmem>>, vector<16xi32>,
        %swap3A_43 = vector.shape_cast %swap3A_42 : vector<16xi32> to vector<16xi32>
        %swap3A_44 = vector.shape_cast %add3A_39 : vector<16xi32> to vector<16xi32>
        tpu.vector_store %arg10[%swap3A], %swap3A_44 {strides = array<i32>} : memref<1024xi32, #tpu.memory_space<vmem>>, vector<16xi32>,
      }
      %scan3A_15 = arith.constant 64 : i32
      %scan3A_16 = arith.constant 0 : i32
      %scan3A_17 = arith.constant 0 : i32
      %scan3A_18 = arith.constant 8 : i32
      %scan3A_19 = arith.addi %scan3A_17, %scan3A_18 : i32
      %scan3A_20 = arith.constant 1 : i32
      scf.for %scan3A_22 = %scan3A_17 to %scan3A_19 step %scan3A_20  : i32 {
        %mul3A_23 = arith.constant 128 : i32
        %mul3A_24 = arith.muli %scan3A_22, %mul3A_23 : i32
        %dma_start3A = tpu.memref_slice %arg10[%mul3A_24] : memref<1024xi32, #tpu.memory_space<vmem>> -> memref<128xi32, #tpu.memory_space<vmem>>
        %dma_start3A_25 = arith.constant 0 : i32
        %dma_start3A_26 = arith.constant 0 : i32
        %dma_start3A_27 = tpu.memref_slice %arg2[%dma_start3A_25, %dma_start3A_26] : memref<160000x64xf32, #tpu.memory_space<hbm>> -> memref<160000x64xf32, #tpu.memory_space<hbm>>
        tpu.enqueue_indirect_dma source(%dma_start3A_27 : memref<160000x64xf32, #tpu.memory_space<hbm>>) target(%arg12 : memref<128x64xf32, #tpu.memory_space<vmem>>) offsets(%dma_start3A : memref<128xi32, #tpu.memory_space<vmem>>) semaphore(%arg14 : memref<!tpu.dma_semaphore, #tpu.memory_space<semaphore_mem>>)
        %dma_wait3A = tpu.memref_slice %arg10[%mul3A_24] : memref<1024xi32, #tpu.memory_space<vmem>> -> memref<128xi32, #tpu.memory_space<vmem>>
        %dma_wait3A_28 = arith.constant 0 : i32
        %dma_wait3A_29 = arith.constant 0 : i32
        %dma_wait3A_30 = tpu.memref_slice %arg2[%dma_wait3A_28, %dma_wait3A_29] : memref<160000x64xf32, #tpu.memory_space<hbm>> -> memref<160000x64xf32, #tpu.memory_space<hbm>>
        tpu.wait_indirect_dma semaphore(%arg14 : memref<!tpu.dma_semaphore, #tpu.memory_space<semaphore_mem>>) src(%dma_wait3A_30 : memref<160000x64xf32, #tpu.memory_space<hbm>>) dst(%arg12 : memref<128x64xf32, #tpu.memory_space<vmem>>)
        "tpu.region"() ({
          %run_scoped3A = tpu.sem_alloc : memref<!tpu.dma_semaphore, #tpu.memory_space<semaphore_mem>>
          %dma_start3A_31 = arith.constant 0 : i32
          %dma_start3A_32 = tpu.memref_slice %arg11[%scan3A_22, %dma_start3A_31] : memref<8x128xi32, #tpu.memory_space<vmem>> -> memref<1x128xi32, #tpu.memory_space<vmem>>
          %dma_start3A_33 = tpu.memref_squeeze %dma_start3A_32 : memref<1x128xi32, #tpu.memory_space<vmem>> -> memref<128xi32, #tpu.memory_space<vmem>>
          %dma_start3A_34 = arith.constant 0 : i32
          %dma_start3A_35 = arith.constant 0 : i32
          %dma_start3A_36 = tpu.memref_slice %arg13[%dma_start3A_34, %dma_start3A_35] : memref<10112x64xf32, #tpu.memory_space<vmem_shared>> -> memref<10112x64xf32, #tpu.memory_space<vmem_shared>>
          tpu.enqueue_indirect_dma source(%arg12 : memref<128x64xf32, #tpu.memory_space<vmem>>) target(%dma_start3A_36 : memref<10112x64xf32, #tpu.memory_space<vmem_shared>>) offsets(%dma_start3A_33 : memref<128xi32, #tpu.memory_space<vmem>>) semaphore(%run_scoped3A : memref<!tpu.dma_semaphore, #tpu.memory_space<semaphore_mem>>) {add = true}
          %dma_wait3A_37 = arith.constant 0 : i32
          %dma_wait3A_38 = tpu.memref_slice %arg11[%scan3A_22, %dma_wait3A_37] : memref<8x128xi32, #tpu.memory_space<vmem>> -> memref<1x128xi32, #tpu.memory_space<vmem>>
          %dma_wait3A_39 = tpu.memref_squeeze %dma_wait3A_38 : memref<1x128xi32, #tpu.memory_space<vmem>> -> memref<128xi32, #tpu.memory_space<vmem>>
          %dma_wait3A_40 = arith.constant 0 : i32
          %dma_wait3A_41 = arith.constant 0 : i32
          %dma_wait3A_42 = tpu.memref_slice %arg13[%dma_wait3A_40, %dma_wait3A_41] : memref<10112x64xf32, #tpu.memory_space<vmem_shared>> -> memref<10112x64xf32, #tpu.memory_space<vmem_shared>>
          tpu.wait_indirect_dma semaphore(%run_scoped3A : memref<!tpu.dma_semaphore, #tpu.memory_space<semaphore_mem>>) src(%arg12 : memref<128x64xf32, #tpu.memory_space<vmem>>) dst(%dma_wait3A_42 : memref<10112x64xf32, #tpu.memory_space<vmem_shared>>)
          tpu.yield
        }) : () -> ()
      }
      %scan3A_21 = arith.constant 8 : i32
    }
    %scan3A_6 = arith.constant 20 : i32
    %barrier3A_7 = arith.constant 0 : index
    tpu.barrier barrier_id(%barrier3A_7)
    %mul3A = arith.constant 632 : i32
    %mul3A_8 = arith.muli %arg1, %mul3A : i32
    "tpu.region"() ({
      %run_scoped3A = tpu.sem_alloc : memref<!tpu.dma_semaphore, #tpu.memory_space<semaphore_mem>>
      %dma_start3A = arith.constant 0 : i32
      %dma_start3A_9 = tpu.memref_slice %arg7[%arg0, %mul3A_8, %dma_start3A] : memref<2x10112x64xf32, #tpu.memory_space<hbm>> -> memref<1x632x64xf32, #tpu.memory_space<hbm>>
      %dma_start3A_10 = tpu.memref_squeeze %dma_start3A_9 : memref<1x632x64xf32, #tpu.memory_space<hbm>> -> memref<632x64xf32, #tpu.memory_space<hbm>>
      %dma_start3A_11 = arith.constant 0 : i32
      %dma_start3A_12 = tpu.memref_slice %arg13[%mul3A_8, %dma_start3A_11] : memref<10112x64xf32, #tpu.memory_space<vmem_shared>> -> memref<632x64xf32, #tpu.memory_space<vmem_shared>>
      tpu.enqueue_dma source(%dma_start3A_12 : memref<632x64xf32, #tpu.memory_space<vmem_shared>>) target(%dma_start3A_10 : memref<632x64xf32, #tpu.memory_space<hbm>>) target_semaphore(%run_scoped3A : memref<!tpu.dma_semaphore, #tpu.memory_space<semaphore_mem>>)
      %dma_wait3A = arith.constant 0 : i32
      %dma_wait3A_13 = tpu.memref_slice %arg7[%arg0, %mul3A_8, %dma_wait3A] : memref<2x10112x64xf32, #tpu.memory_space<hbm>> -> memref<1x632x64xf32, #tpu.memory_space<hbm>>
      %dma_wait3A_14 = tpu.memref_squeeze %dma_wait3A_13 : memref<1x632x64xf32, #tpu.memory_space<hbm>> -> memref<632x64xf32, #tpu.memory_space<hbm>>
      %dma_wait3A_15 = arith.constant 0 : i32
      %dma_wait3A_16 = tpu.memref_slice %arg13[%mul3A_8, %dma_wait3A_15] : memref<10112x64xf32, #tpu.memory_space<vmem_shared>> -> memref<632x64xf32, #tpu.memory_space<vmem_shared>>
      tpu.wait_dma2 semaphore(%run_scoped3A : memref<!tpu.dma_semaphore, #tpu.memory_space<semaphore_mem>>) src(%dma_wait3A_16 : memref<632x64xf32, #tpu.memory_space<vmem_shared>>) dst(%dma_wait3A_14 : memref<632x64xf32, #tpu.memory_space<hbm>>)
      tpu.yield
    }) : () -> ()
    return
  }
}

module attributes {stable_mosaic.version = 14 : i64} {
  func.func @_mm_body(%arg0: i32, %arg1: i32, %arg2: memref<1000x128xf32, #tpu.memory_space<vmem>>, %arg3: memref<1x128x128xf32, #tpu.memory_space<vmem>>, %arg4: memref<1x1000x128xf32, #tpu.memory_space<vmem>>) attributes {dimension_semantics = [#tpu.dimension_semantics<arbitrary>, #tpu.dimension_semantics<arbitrary>], iteration_bounds = array<i64: 8, 10>, scalar_prefetch = 0 : i64, scratch_operands = 0 : i64, tpu.core_type = #tpu.core_type<tc>, window_params = [{transform_indices = @transform_0, window_bounds = array<i64: 1000, 128>}, {transform_indices = @transform_1, window_bounds = array<i64: 1, 128, 128>}, {transform_indices = @transform_2, window_bounds = array<i64: 1, 1000, 128>}]} {
    %get3A = arith.constant 0 : index
    %get3A_0 = arith.constant 0 : index
    %get3A_1 = vector.load %arg2[%get3A, %get3A_0] : memref<1000x128xf32, #tpu.memory_space<vmem>>, vector<1000x128xf32>
    %get3A_2 = arith.constant 0 : index
    %get3A_3 = arith.constant 0 : index
    %get3A_4 = arith.constant 0 : index
    %get3A_5 = vector.load %arg3[%get3A_2, %get3A_3, %get3A_4] : memref<1x128x128xf32, #tpu.memory_space<vmem>>, vector<1x128x128xf32>
    %get3A_6 = vector.shape_cast %get3A_5 : vector<1x128x128xf32> to vector<128x128xf32>
    %dot_general3A = arith.constant dense<0.000000e+00> : vector<1000x128xf32>
    %dot_general3A_7 = tpu.matmul %get3A_1, %get3A_6, %dot_general3A {dimension_numbers = #tpu.dot_dimension_numbers<[1], [0], [0], [1], [0, 0, 1, 1], [], []>, transpose_lhs_hint = false} : vector<1000x128xf32>, vector<128x128xf32>, vector<1000x128xf32> -> vector<1000x128xf32>
    %swap3A = arith.constant 0 : index
    %swap3A_8 = arith.constant 0 : index
    %swap3A_9 = arith.constant 0 : index
    %swap3A_10 = vector.load %arg4[%swap3A, %swap3A_8, %swap3A_9] : memref<1x1000x128xf32, #tpu.memory_space<vmem>>, vector<1x1000x128xf32>
    %swap3A_11 = vector.shape_cast %swap3A_10 : vector<1x1000x128xf32> to vector<1000x128xf32>
    %swap3A_12 = vector.shape_cast %dot_general3A_7 : vector<1000x128xf32> to vector<1x1000x128xf32>
    tpu.vector_store %arg4[%swap3A, %swap3A_8, %swap3A_9], %swap3A_12 {strides = array<i32>} : memref<1x1000x128xf32, #tpu.memory_space<vmem>>, vector<1x1000x128xf32>,
    return
  }
  func.func @transform_0(%arg0: i32, %arg1: i32) -> (i32, i32) {
    %c0_i32 = arith.constant 0 : i32
    %c0_i32_0 = arith.constant 0 : i32
    return %arg1, %c0_i32 : i32, i32
  }
  func.func @transform_1(%arg0: i32, %arg1: i32) -> (i32, i32, i32) {
    %c0_i32 = arith.constant 0 : i32
    %c0_i32_0 = arith.constant 0 : i32
    %c0_i32_1 = arith.constant 0 : i32
    return %arg0, %c0_i32, %c0_i32_0 : i32, i32, i32
  }
  func.func @transform_2(%arg0: i32, %arg1: i32) -> (i32, i32, i32) {
    %c0_i32 = arith.constant 0 : i32
    %c0_i32_0 = arith.constant 0 : i32
    return %arg0, %arg1, %c0_i32 : i32, i32, i32
  }
}

module attributes {stable_mosaic.version = 14 : i64} {
  func.func @_comb_body(%arg0: i32, %arg1: memref<2x1000x64xf32, #tpu.memory_space<vmem>>, %arg2: memref<1000x16xf32, #tpu.memory_space<vmem>>, %arg3: memref<1000x128xf32, #tpu.memory_space<vmem>>, %arg4: memref<128x128xf32, #tpu.memory_space<vmem>>, %arg5: memref<1x128xf32, #tpu.memory_space<vmem>>, %arg6: memref<1000x128xf32, #tpu.memory_space<vmem>>) attributes {dimension_semantics = [#tpu.dimension_semantics<arbitrary>], iteration_bounds = array<i64: 10>, scalar_prefetch = 0 : i64, scratch_operands = 0 : i64, tpu.core_type = #tpu.core_type<tc>, window_params = [{transform_indices = @transform_0, window_bounds = array<i64: 2, 1000, 64>}, {transform_indices = @transform_1, window_bounds = array<i64: 1000, 16>}, {transform_indices = @transform_2, window_bounds = array<i64: 1000, 128>}, {pipeline_mode = #tpu.pipeline_mode<synchronous>, transform_indices = @transform_3, window_bounds = array<i64: 128, 128>}, {pipeline_mode = #tpu.pipeline_mode<synchronous>, transform_indices = @transform_4, window_bounds = array<i64: 1, 128>}, {transform_indices = @transform_5, window_bounds = array<i64: 1000, 128>}]} {
    %get3A = arith.constant 0 : index
    %get3A_0 = arith.constant 0 : index
    %get3A_1 = arith.constant 0 : index
    %get3A_2 = vector.load %arg1[%get3A, %get3A_0, %get3A_1] : memref<2x1000x64xf32, #tpu.memory_space<vmem>>, vector<1x1000x64xf32>
    %get3A_3 = vector.shape_cast %get3A_2 : vector<1x1000x64xf32> to vector<1000x64xf32>
    %get3A_4 = arith.constant 1 : index
    %get3A_5 = arith.constant 0 : index
    %get3A_6 = arith.constant 0 : index
    %get3A_7 = vector.load %arg1[%get3A_4, %get3A_5, %get3A_6] : memref<2x1000x64xf32, #tpu.memory_space<vmem>>, vector<1x1000x64xf32>
    %get3A_8 = vector.shape_cast %get3A_7 : vector<1x1000x64xf32> to vector<1000x64xf32>
    %concatenate3A = tpu.concatenate %get3A_3, %get3A_8 in 1 : vector<1000x64xf32>, vector<1000x64xf32> -> vector<1000x128xf32>
    %get3A_9 = arith.constant 0 : index
    %get3A_10 = arith.constant 0 : index
    %get3A_11 = vector.load %arg2[%get3A_9, %get3A_10] : memref<1000x16xf32, #tpu.memory_space<vmem>>, vector<1000x1xf32>
    %gt3A = arith.constant 0.000000e+00 : f32
    %gt3A_12 = vector.broadcast %gt3A : f32 to vector<1000x1xf32>
    %gt3A_13 = arith.cmpf ogt, %get3A_11, %gt3A_12 : vector<1000x1xf32>
    %max3A = arith.constant 1.000000e+00 : f32
    %max3A_14 = vector.broadcast %max3A : f32 to vector<1000x1xf32>
    %max3A_15 = arith.maximumf %get3A_11, %max3A_14 : vector<1000x1xf32>
    %div3A = arith.constant 1.000000e+00 : f32
    %div3A_16 = vector.broadcast %div3A : f32 to vector<1000x1xf32>
    %div3A_17 = arith.divf %div3A_16, %max3A_15 : vector<1000x1xf32>
    %jit3A = arith.constant 0.000000e+00 : f32
    %broadcast_in_dim3A = vector.broadcast %jit3A : f32 to vector<1000x1xf32>
    %select_n3A = arith.select %gt3A_13, %div3A_17, %broadcast_in_dim3A : vector<1000x1xi1>, vector<1000x1xf32>
    %mul3A = vector.broadcast %select_n3A : vector<1000x1xf32> to vector<1000x128xf32>
    %mul3A_18 = arith.mulf %concatenate3A, %mul3A : vector<1000x128xf32>
    %get3A_19 = arith.constant 0 : index
    %get3A_20 = arith.constant 0 : index
    %get3A_21 = vector.load %arg3[%get3A_19, %get3A_20] : memref<1000x128xf32, #tpu.memory_space<vmem>>, vector<1000x128xf32>
    %get3A_22 = arith.constant 0 : index
    %get3A_23 = arith.constant 0 : index
    %get3A_24 = vector.load %arg4[%get3A_22, %get3A_23] : memref<128x128xf32, #tpu.memory_space<vmem>>, vector<128x128xf32>
    %dot_general3A = arith.constant dense<0.000000e+00> : vector<1000x128xf32>
    %dot_general3A_25 = tpu.matmul %get3A_21, %get3A_24, %dot_general3A {dimension_numbers = #tpu.dot_dimension_numbers<[1], [0], [0], [1], [0, 0, 1, 1], [], []>, transpose_lhs_hint = false} : vector<1000x128xf32>, vector<128x128xf32>, vector<1000x128xf32> -> vector<1000x128xf32>
    %add3A = arith.addf %mul3A_18, %dot_general3A_25 : vector<1000x128xf32>
    %get3A_26 = arith.constant 0 : index
    %get3A_27 = arith.constant 0 : index
    %get3A_28 = vector.load %arg5[%get3A_26, %get3A_27] : memref<1x128xf32, #tpu.memory_space<vmem>>, vector<1x128xf32>
    %add3A_29 = vector.broadcast %get3A_28 : vector<1x128xf32> to vector<1000x128xf32>
    %add3A_30 = arith.addf %add3A, %add3A_29 : vector<1000x128xf32>
    %swap3A = arith.constant 0 : index
    %swap3A_31 = arith.constant 0 : index
    %swap3A_32 = vector.load %arg6[%swap3A, %swap3A_31] : memref<1000x128xf32, #tpu.memory_space<vmem>>, vector<1000x128xf32>
    tpu.vector_store %arg6[%swap3A, %swap3A_31], %add3A_30 {strides = array<i32>} : memref<1000x128xf32, #tpu.memory_space<vmem>>, vector<1000x128xf32>,
    return
  }
  func.func @transform_0(%arg0: i32) -> (i32, i32, i32) {
    %c0_i32 = arith.constant 0 : i32
    %c0_i32_0 = arith.constant 0 : i32
    %c0_i32_1 = arith.constant 0 : i32
    return %c0_i32, %arg0, %c0_i32_0 : i32, i32, i32
  }
  func.func @transform_1(%arg0: i32) -> (i32, i32) {
    %c0_i32 = arith.constant 0 : i32
    %c0_i32_0 = arith.constant 0 : i32
    return %arg0, %c0_i32 : i32, i32
  }
  func.func @transform_2(%arg0: i32) -> (i32, i32) {
    %c0_i32 = arith.constant 0 : i32
    %c0_i32_0 = arith.constant 0 : i32
    return %arg0, %c0_i32 : i32, i32
  }
  func.func @transform_3(%arg0: i32) -> (i32, i32) {
    %c0_i32 = arith.constant 0 : i32
    %c0_i32_0 = arith.constant 0 : i32
    %c0_i32_1 = arith.constant 0 : i32
    return %c0_i32, %c0_i32_0 : i32, i32
  }
  func.func @transform_4(%arg0: i32) -> (i32, i32) {
    %c0_i32 = arith.constant 0 : i32
    %c0_i32_0 = arith.constant 0 : i32
    %c0_i32_1 = arith.constant 0 : i32
    return %c0_i32, %c0_i32_0 : i32, i32
  }
  func.func @transform_5(%arg0: i32) -> (i32, i32) {
    %c0_i32 = arith.constant 0 : i32
    %c0_i32_0 = arith.constant 0 : i32
    return %arg0, %c0_i32 : i32, i32
  }
}

module attributes {stable_mosaic.version = 14 : i64} {
  func.func @_comb_body(%arg0: i32, %arg1: memref<2x1000x64xf32, #tpu.memory_space<vmem>>, %arg2: memref<1000x16xf32, #tpu.memory_space<vmem>>, %arg3: memref<1000x128xf32, #tpu.memory_space<vmem>>, %arg4: memref<128x128xf32, #tpu.memory_space<vmem>>, %arg5: memref<1x128xf32, #tpu.memory_space<vmem>>, %arg6: memref<1000x128xf32, #tpu.memory_space<vmem>>) attributes {dimension_semantics = [#tpu.dimension_semantics<arbitrary>], iteration_bounds = array<i64: 10>, scalar_prefetch = 0 : i64, scratch_operands = 0 : i64, tpu.core_type = #tpu.core_type<tc>, window_params = [{transform_indices = @transform_0, window_bounds = array<i64: 2, 1000, 64>}, {transform_indices = @transform_1, window_bounds = array<i64: 1000, 16>}, {transform_indices = @transform_2, window_bounds = array<i64: 1000, 128>}, {pipeline_mode = #tpu.pipeline_mode<synchronous>, transform_indices = @transform_3, window_bounds = array<i64: 128, 128>}, {pipeline_mode = #tpu.pipeline_mode<synchronous>, transform_indices = @transform_4, window_bounds = array<i64: 1, 128>}, {transform_indices = @transform_5, window_bounds = array<i64: 1000, 128>}]} {
    %get3A = arith.constant 0 : index
    %get3A_0 = arith.constant 0 : index
    %get3A_1 = arith.constant 0 : index
    %get3A_2 = vector.load %arg1[%get3A, %get3A_0, %get3A_1] : memref<2x1000x64xf32, #tpu.memory_space<vmem>>, vector<1x1000x64xf32>
    %get3A_3 = vector.shape_cast %get3A_2 : vector<1x1000x64xf32> to vector<1000x64xf32>
    %get3A_4 = arith.constant 1 : index
    %get3A_5 = arith.constant 0 : index
    %get3A_6 = arith.constant 0 : index
    %get3A_7 = vector.load %arg1[%get3A_4, %get3A_5, %get3A_6] : memref<2x1000x64xf32, #tpu.memory_space<vmem>>, vector<1x1000x64xf32>
    %get3A_8 = vector.shape_cast %get3A_7 : vector<1x1000x64xf32> to vector<1000x64xf32>
    %concatenate3A = tpu.concatenate %get3A_3, %get3A_8 in 1 : vector<1000x64xf32>, vector<1000x64xf32> -> vector<1000x128xf32>
    %get3A_9 = arith.constant 0 : index
    %get3A_10 = arith.constant 0 : index
    %get3A_11 = vector.load %arg2[%get3A_9, %get3A_10] : memref<1000x16xf32, #tpu.memory_space<vmem>>, vector<1000x1xf32>
    %gt3A = arith.constant 0.000000e+00 : f32
    %gt3A_12 = vector.broadcast %gt3A : f32 to vector<1000x1xf32>
    %gt3A_13 = arith.cmpf ogt, %get3A_11, %gt3A_12 : vector<1000x1xf32>
    %max3A = arith.constant 1.000000e+00 : f32
    %max3A_14 = vector.broadcast %max3A : f32 to vector<1000x1xf32>
    %max3A_15 = arith.maximumf %get3A_11, %max3A_14 : vector<1000x1xf32>
    %div3A = arith.constant 1.000000e+00 : f32
    %div3A_16 = vector.broadcast %div3A : f32 to vector<1000x1xf32>
    %div3A_17 = arith.divf %div3A_16, %max3A_15 : vector<1000x1xf32>
    %jit3A = arith.constant 0.000000e+00 : f32
    %broadcast_in_dim3A = vector.broadcast %jit3A : f32 to vector<1000x1xf32>
    %select_n3A = arith.select %gt3A_13, %div3A_17, %broadcast_in_dim3A : vector<1000x1xi1>, vector<1000x1xf32>
    %mul3A = vector.broadcast %select_n3A : vector<1000x1xf32> to vector<1000x128xf32>
    %mul3A_18 = arith.mulf %concatenate3A, %mul3A : vector<1000x128xf32>
    %get3A_19 = arith.constant 0 : index
    %get3A_20 = arith.constant 0 : index
    %get3A_21 = vector.load %arg3[%get3A_19, %get3A_20] : memref<1000x128xf32, #tpu.memory_space<vmem>>, vector<1000x128xf32>
    %get3A_22 = arith.constant 0 : index
    %get3A_23 = arith.constant 0 : index
    %get3A_24 = vector.load %arg4[%get3A_22, %get3A_23] : memref<128x128xf32, #tpu.memory_space<vmem>>, vector<128x128xf32>
    %dot_general3A = arith.constant dense<0.000000e+00> : vector<1000x128xf32>
    %dot_general3A_25 = tpu.matmul %get3A_21, %get3A_24, %dot_general3A {dimension_numbers = #tpu.dot_dimension_numbers<[1], [0], [0], [1], [0, 0, 1, 1], [], []>, transpose_lhs_hint = false} : vector<1000x128xf32>, vector<128x128xf32>, vector<1000x128xf32> -> vector<1000x128xf32>
    %add3A = arith.addf %mul3A_18, %dot_general3A_25 : vector<1000x128xf32>
    %get3A_26 = arith.constant 0 : index
    %get3A_27 = arith.constant 0 : index
    %get3A_28 = vector.load %arg5[%get3A_26, %get3A_27] : memref<1x128xf32, #tpu.memory_space<vmem>>, vector<1x128xf32>
    %add3A_29 = vector.broadcast %get3A_28 : vector<1x128xf32> to vector<1000x128xf32>
    %add3A_30 = arith.addf %add3A, %add3A_29 : vector<1000x128xf32>
    %swap3A = arith.constant 0 : index
    %swap3A_31 = arith.constant 0 : index
    %swap3A_32 = vector.load %arg6[%swap3A, %swap3A_31] : memref<1000x128xf32, #tpu.memory_space<vmem>>, vector<1000x128xf32>
    tpu.vector_store %arg6[%swap3A, %swap3A_31], %add3A_30 {strides = array<i32>} : memref<1000x128xf32, #tpu.memory_space<vmem>>, vector<1000x128xf32>,
    return
  }
  func.func @transform_0(%arg0: i32) -> (i32, i32, i32) {
    %c0_i32 = arith.constant 0 : i32
    %c0_i32_0 = arith.constant 0 : i32
    %c0_i32_1 = arith.constant 0 : i32
    return %c0_i32, %arg0, %c0_i32_0 : i32, i32, i32
  }
  func.func @transform_1(%arg0: i32) -> (i32, i32) {
    %c0_i32 = arith.constant 0 : i32
    %c0_i32_0 = arith.constant 0 : i32
    return %arg0, %c0_i32 : i32, i32
  }
  func.func @transform_2(%arg0: i32) -> (i32, i32) {
    %c0_i32 = arith.constant 0 : i32
    %c0_i32_0 = arith.constant 0 : i32
    return %arg0, %c0_i32 : i32, i32
  }
  func.func @transform_3(%arg0: i32) -> (i32, i32) {
    %c0_i32 = arith.constant 0 : i32
    %c0_i32_0 = arith.constant 0 : i32
    %c0_i32_1 = arith.constant 0 : i32
    return %c0_i32, %c0_i32_0 : i32, i32
  }
  func.func @transform_4(%arg0: i32) -> (i32, i32) {
    %c0_i32 = arith.constant 0 : i32
    %c0_i32_0 = arith.constant 0 : i32
    %c0_i32_1 = arith.constant 0 : i32
    return %c0_i32, %c0_i32_0 : i32, i32
  }
  func.func @transform_5(%arg0: i32) -> (i32, i32) {
    %c0_i32 = arith.constant 0 : i32
    %c0_i32_0 = arith.constant 0 : i32
    return %arg0, %c0_i32 : i32, i32
  }
}

</mosaic_0001>

<sc_bundles>
// kernel: kernel.11.cloned.1.call-start
scs
__scs_entry_jumppad:
0x0: {  	(pc) =	sbr.rel $0x88, $3  }
0x1: {  	(tag) =	ssettag $0x0;
	lr =	simm.s32 $0x1  }
0x2: {  	[smem:$0x3F9B] =	sst lr;
	_ =	strace $0xD0000000  }
0x3: {  	_ = 	snop  }
0x4: {  	_ = 	snop  }
0x5: {  	_ = 	snop  }
0x6: {  	_ = 	snop  }
0x7: {  	_ = 	snop  }
__scs_overlays_trampoline_lowered:
0x8: {  	[smem:$0x3FAA] =	sst s0  }
0x9: {  	[smem:$0x3FAB] =	sst s1  }
0xa: {  	[smem:$0x3FAC] =	sst s2  }
0xb: {  	[smem:$0x3FAD] =	sst s3  }
0xc: {  	[smem:$0x3FAE] =	sst s4  }
0xd: {  	[smem:$0x3FAF] =	sst s5  }
0xe: {  	[smem:$0x3FB0] =	sst s6  }
0xf: {  	[smem:$0x3FB1] =	sst s7  }
0x10: {  	[smem:$0x3FB2] =	sst s8  }
0x11: {  	[smem:$0x3FB3] =	sst s9;
	s0 =	simm.s32 @!p0 $0x0  }
0x12: {  	s1 =	sld [smem:$0x3F99];
	s0 =	simm.s32 @p0 $0x1  }
0x13: {  	[smem:$0x3FB4] =	sst s0;
	s0 =	simm.s32 @!p1 $0x0  }
0x14: {  	s2 =	sld [smem:$0x3F98];
	s0 =	simm.s32 @p1 $0x1  }
0x15: {  	[smem:$0x3FB5] =	sst s0;
	s0 =	simm.s32 @!p2 $0x0  }
0x16: {  	s3 =	sld [smem:$0x3FDB];
	s0 =	simm.s32 @p2 $0x1  }
0x17: {  	s4 =	simm.s32 $0x1BF5;
	[smem:$0x3FB7] =	sst s0  }
0x18: {  	s0 =	sld [smem:$0x3F9A];
	_ =	swait.ge [sflag:s4], $0x0  }
0x19: {  	s7 =	sld [smem:$0x3F9B]  }
0x1a: {  	s8 =	sadd.s32 $0xFFFFE003, lr  }
0x1b: {  	s9 =	sadd.s32 $0xFFFFFEF7, lr;
	s5 =	simm.s32 $0xFFFFFFFF;
	p2 =	slt.u32 s8, $0xFFFFF086  }
0x1c: {  	p1 =	slt.u32 s9, $0xF7A;
	s5 =	simm.s32 @!p2 $0x0  }
0x1d: {  	s5 =	simm.s32 @p1 $0x1;
	p0 =	seq.s32 s7, s2  }
0x1e: {  	s7 =	smul.u32 @!p0 $0xF7A, s2;
	p2 =	seq.s32 @!p0 s5, $0x0  }
0x1f: {  	s9 =	smul.u32 $0xF7A, s1;
	s8 =	simm.s32 @!p0 $0x1BF5;
	p2 =	por !p2, p0  }
0x20: {  	[sflag:s8] =	ssyncset.s32 @!p0 $0xFFFFF086;
	s6 =	sadd.s32 @!p0 s3, s7;
	s7 =	simm.s32 @!p0 $0x108  }
0x21: {  	s3 =	sadd.s32 s3, s9;
	s6 =	sadd.s32 @!p0 $0x88, s6;
	s7 =	simm.s32 @p2 $0x1082  }
0x22: {  	[simem:s7], [sflag:s8] =	dma.local @!p0 [hbm:s6], $0xF7A  }
0x23: {  	s9 =	sor.u32 $0xD0000000, s2;
	s6 =	simm.s32 $0x108;
	_ =	swait.ge @!p0 [sflag:s8], $0x0  }
0x24: {  	s3 =	sadd.s32 $0x88, s3;
	s6 =	simm.s32 @!p1 $0x1082;
	[sflag:s4] =	ssyncset.s32 $0xFFFFF086  }
0x25: {  	[simem:s6], [sflag:s4] =	dma.local [hbm:s3], $0xF7A  }
0x26: {  	[smem:$0x3F9B] =	sst s1;
	(tag) =	ssettag s2;
	_ =	strace s9  }
0x27: {  	s1 =	sld [smem:$0x3FAB]  }
0x28: {  	s2 =	sld [smem:$0x3FAC]  }
0x29: {  	s4 =	sld [smem:$0x3FAE]  }
0x2a: {  	p0 =	seq.s32 s5, $0x0;
	s5 =	sld [smem:$0x3FAF]  }
0x2b: {  	s6 =	sld [smem:$0x3FB0]  }
0x2c: {  	s7 =	sld [smem:$0x3FB1]  }
0x2d: {  	s3 =	simm.s32 $0x108;
	s8 =	sld [smem:$0x3FB2]  }
0x2e: {  	s3 =	simm.s32 @!p0 $0x1082;
	s9 =	sld [smem:$0x3FB3]  }
0x2f: {  	lr =	sadd.s32 s0, s3;
	s0 =	sld [smem:$0x3FAA]  }
0x30: {  	s3 =	sld [smem:$0x3FAD]  }
0x31: {  	[smem:$0x3FB6] =	sst s10  }
0x32: {  	s10 =	sld [smem:$0x3FB4];
	_ =	sdelay $0x3  }
0x33: {  	p0 =	seq.s32 s10, $0x1;
	s10 =	sld [smem:$0x3FB6];
	_ =	sdelay $0x3  }
0x34: {  	[smem:$0x3FB6] =	sst s10  }
0x35: {  	s10 =	sld [smem:$0x3FB5];
	_ =	sdelay $0x3  }
0x36: {  	p1 =	seq.s32 s10, $0x1;
	s10 =	sld [smem:$0x3FB6];
	_ =	sdelay $0x3  }
0x37: {  	[smem:$0x3FB6] =	sst s10  }
0x38: {  	s10 =	sld [smem:$0x3FB7]  }
0x39: {  	_ = 	snop;
	(pc) =	sbr.ind lr, $3  }
0x3a: {  	_ = 	snop  }
0x3b: {  	_ = 	snop  }
0x3c: {  	p2 =	seq.s32 s10, $0x1;
	s10 =	sld [smem:$0x3FB6]  }
0x3d: {  	_ =	shalt  }
0x3e: {  	_ =	shalt  }
0x3f: {  	_ =	shalt  }
0x40: {  	_ =	shalt  }
0x41: {  	_ =	shalt  }
0x42: {  	_ =	shalt  }
0x43: {  	_ =	shalt  }
0x44: {  	_ =	shalt  }
0x45: {  	_ =	shalt  }
0x46: {  	_ =	shalt  }
0x47: {  	_ =	shalt  }
0x48: {  	_ =	shalt  }
0x49: {  	_ =	shalt  }
0x4a: {  	_ =	shalt  }
0x4b: {  	_ =	shalt  }
0x4c: {  	_ =	shalt  }
0x4d: {  	_ =	shalt  }
0x4e: {  	_ =	shalt  }
0x4f: {  	_ =	shalt  }
0x50: {  	_ =	shalt  }
0x51: {  	_ =	shalt  }
0x52: {  	_ =	shalt  }
0x53: {  	_ =	shalt  }
0x54: {  	_ =	shalt  }
0x55: {  	_ =	shalt  }
0x56: {  	_ =	shalt  }
0x57: {  	_ =	shalt  }
0x58: {  	_ =	shalt  }
0x59: {  	_ =	shalt  }
0x5a: {  	_ =	shalt  }
0x5b: {  	_ =	shalt  }
0x5c: {  	_ =	shalt  }
0x5d: {  	_ =	shalt  }
0x5e: {  	_ =	shalt  }
0x5f: {  	_ =	shalt  }
0x60: {  	_ =	shalt  }
0x61: {  	_ =	shalt  }
0x62: {  	_ =	shalt  }
0x63: {  	_ =	shalt  }
0x64: {  	_ =	shalt  }
0x65: {  	_ =	shalt  }
0x66: {  	_ =	shalt  }
0x67: {  	_ =	shalt  }
0x68: {  	_ =	shalt  }
0x69: {  	_ =	shalt  }
0x6a: {  	_ =	shalt  }
0x6b: {  	_ =	shalt  }
0x6c: {  	_ =	shalt  }
0x6d: {  	_ =	shalt  }
0x6e: {  	_ =	shalt  }
0x6f: {  	_ =	shalt  }
0x70: {  	_ =	shalt  }
0x71: {  	_ =	shalt  }
0x72: {  	_ =	shalt  }
0x73: {  	_ =	shalt  }
0x74: {  	_ =	shalt  }
0x75: {  	_ =	shalt  }
0x76: {  	_ =	shalt  }
0x77: {  	_ =	shalt  }
0x78: {  	_ =	shalt  }
0x79: {  	_ =	shalt  }
0x7a: {  	_ =	shalt  }
0x7b: {  	_ =	shalt  }
0x7c: {  	_ =	shalt  }
0x7d: {  	_ =	shalt  }
0x7e: {  	_ =	shalt  }
0x7f: {  	_ =	shalt  }
0x80: {  	_ =	shalt  }
0x81: {  	_ =	shalt  }
0x82: {  	_ =	shalt  }
0x83: {  	_ =	shalt  }
0x84: {  	_ =	shalt  }
0x85: {  	_ =	shalt  }
0x86: {  	_ =	shalt  }
0x87: {  	_ =	shalt  }
.Lfunc_end0:
.L_simem_size_0:
called_computation.1_lowered:
.L_overlay_start_0:
0x88: {  	s2 =	sld [smem:$0x3FD9]  }
0x89: {  	s3 =	sld [smem:$0x3FFE];
	_ =	sdelay $0x1  }
0x8a: {  	s1 =	srdreg.scid  }
0x8b: {  	s0 =	sand.u32 $0x1, s1  }
0x8c: {  	s17 =	sshll.u32 s0, $0xA;
	s2 =	sadd.s32 s3, s2  }
0x8d: {  	s2 =	sadd.s32 s2, s17  }
0x8e: {  	[smem:$0x3FC2] =	sst s2  }
0x8f: {  	_ = 	snop  }
0x90: {  	s2 =	sld [smem:$0x3FD0];
	(tm) =	ssettm $0x1  }
0x91: {  	s18 =	sld [smem:$0x3FFB];
	_ =	sdelay $0x3  }
0x92: {  	_ =	strace s18  }
0x93: {  	s3 =	sld [smem:$0x3FFC];
	_ =	sdelay $0x3  }
0x94: {  	_ =	strace s3  }
0x95: {  	s3 =	sld [smem:$0x3FFD];
	_ =	sdelay $0x3  }
0x96: {  	_ =	strace s3  }
0x97: {  	_ =	strace $0x8FFFFFFF  }
0x98: {  	s19 =	sld [smem:$0x3FDB];
	_ =	sdelay $0x1  }
0x99: {  	s4 =	simm.s32 $_scs_section_size  }
0x9a: {  	s5 =	simm.s32 $_size__tile_overlayer_lowered;
	s6 =	simm.s32 $_tile_overlayer_lowered  }
0x9b: {  	s22 =	simm.s32 $0x1BFF;
	s21 =	sshll.u32 s6, $0x1;
	s3 =	sadd.s32 s4, s19  }
0x9c: {  	s7 =	simm.s32 $0x0;
	s20 =	sshll.u32 s5, $0x1;
	s5 =	sadd.s32 s21, s3  }
0x9d: {  	[timem:s7], [sflag:s22] =	dma.local [hbm:s5], s20  }
0x9e: {  	_ =	swait.ge [sflag:s22], s20  }
0x9f: {  	s4 =	ssub.s32 $0x0, s20;
	[sflag:s22] =	ssyncset.done $0x0  }
0xa0: {  	[sflag:s22] =	ssyncadd.s32 s4;
	_ =	sdelay $0x1  }
0xa1: {  	s23 =	simm.s32 $0x1B8B  }
0xa2: {  	_ =	swait.ge [sflag:s23], $0x1  }
0xa3: {  	[sflag:s23] =	ssyncset.done $0x0  }
0xa4: {  	s25 =	simm.s32 $0x1B8E;
	s24 =	sld [smem:$0x3FFE];
	[sflag:s23] =	ssyncadd.s32 $0xFFFFFFFF  }
0xa5: {  	s26 =	simm.s32 $execute0_lowered;
	[smem:$0x3FD2] =	sst s25  }
0xa6: {  	s5 =	sshll.u32 s26, $0x1;
	_ =	strace $0x80000049;
	[dreg:$0x1] =	wrdreg $0xFFFFFFFF  }
0xa7: {  	s28 =	simm.s32 $_size_execute0_lowered;
	s3 =	sadd.s32 s3, s5;
	[dreg:$0x0] =	wrdreg $0x0  }
0xa8: {  	s5 =	sshll.u32 s28, $0x1;
	[dreg:$0x2] =	wrdreg s3  }
0xa9: {  	[dreg:$0x3] =	wrdreg s5  }
0xaa: {  	[dreg:$0x4] =	wrdreg $0xC0  }
0xab: {  	_ =	task [dreg:s7], $0x5FFFF  }
0xac: {  	[dreg:$0x1] =	wrdreg $0xFFFFFFFF  }
0xad: {  	[dreg:$0x0] =	wrdreg $0x60  }
0xae: {  	[dreg:$0x2] =	wrdreg s24  }
0xaf: {  	[dreg:$0x3] =	wrdreg s2  }
0xb0: {  	[dreg:$0x4] =	wrdreg $0x30000  }
0xb1: {  	[dreg:$0x5] =	wrdreg $0x9  }
0xb2: {  	_ =	task.clear_ibuf [dreg:s7], $0x6FFFF;
	_ =	strace $0x90000049  }
0xb3: {  	s29 =	simm.s32 $0x9;
	_ =	strace $0x8000004B  }
0xb4: {  	_ =	swait.ge [sflag:s29], $0x1  }
0xb5: {  	[sflag:s29] =	ssyncadd.s32 $0xFFFFFFFF  }
0xb6: {  	_ =	strace $0x9000004B  }
0xb7: {  	_ =	sfence  }
0xb8: {  	s30 =	sld [smem:$0x0];
	_ =	sdelay $0x2  }
0xb9: {  	s31 =	sshll.u32 s1, $0xD;
	s1 =	sshrl.u32 s1, $0x2  }
0xba: {  	s3 =	sand.u32 $0x4000, s31;
	s1 =	sadd.s32 s1, s30  }
0xbb: {  	s0 =	sor.u32 s3, s0;
	s1 =	sshll.u32 s1, $0x11  }
0xbc: {  	s0 =	sor.u32 s1, s0  }
0xbd: {  	s0 =	sadd.s32 $0x8F2B, s0  }
0xbe: {  	[sflag:s0] =	ssyncadd.remote.s32 $0x1  }
0xbf: {  	_ =	sfence.sel $0xFFFF  }
0xc0: {  	[dreg:$0x0] =	wrdreg $0xFFFFFFFF;
	(pc) =	sbr.abs _section_cstart, $3  }
0xc1: {  	[dreg:$0x1] =	wrdreg $0xFFFFFFFF  }
0xc2: {  	_ =	task.clear_ibuf [dreg:s7], $0x2FFFF;
	_ =	strace $0x9FFFFFFF  }
0xc3: {  	(tm) =	ssettm $0x7FFFFFFF  }
tec
execute0_lowered:
.L_overlay_start_1:
0x0: {  	(tag) =	ssettag $0x1  }
0x1: {  	s0 =	rddreg [dreg:$0x0]  }
0x2: {  	s2 =	rddreg [dreg:$0x2];
	s1 =	srdreg.scid;
	s3 =	simm.s32 $0x0  }
0x3: {  	s12 =	stileid.u32;
	s13 =	simm.s32 $0x2;
	s14 =	simm.s32 $0x400  }
0x4: {  	s15 =	simm.s32 $0xC00;
	s16 =	simm.s32 $0x80;
	s17 =	simm.s32 $0x800  }
0x5: {  	s18 =	simm.s32 $0x1000;
	s19 =	simm.s32 $0x1;
	s20 =	simm.s32 $0x880  }
0x6: {  	s21 =	simm.s32 $0xC80;
	s22 =	simm.s32 $0x900;
	s23 =	simm.s32 $0xD00  }
0x7: {  	s28 =	simm.s32 $0xA00;
	s29 =	simm.s32 $0xE00;
	s30 =	simm.s32 $0xA80  }
0x8: {  	s31 =	simm.s32 $0xE80;
	s1 =	sand.u32 $0x1, s1;
	[smem:$0x7FF] =	sst s3  }
0x9: {  	s10 =	smul.u32 $0x9E00, s12;
	s5 =	sadd.s32 $0x1FA00, s0;
	s6 =	sadd.s32 $0x1A00, s0  }
0xa: {  	s7 =	sadd.s32 $0xBA00, s0;
	s8 =	sadd.s32 $0x15A00, s0;
	s4 =	smul.u32 $0x9E000, s1  }
0xb: {  	p0 =	sne.s32 s12, $0x0;
	_ =	strace $0x8000004A;
	s9 =	ssub.s32 $0x2, s1  }
0xc: {  	v0 =	vmov s1;
	s1 =	simm.s32 $0xF00;
	s11 =	sshrl.u32 s9, $0x1;
	s4 =	sadd.s32 s10, s4  }
0xd: {  	s26 =	sadd.s32 s10, s2;
	s25 =	ssub.s32 s9, s11;
	s4 =	sshrl.u32 s4, $0x3  }
0xe: {  	s9 =	smul.u32 $0x5000, s12;
	s0 =	sadd.s32 s4, s0;
	s4 =	smax.u32 s25, $0x1  }
0xf: {  	s10 =	simm.s32 $0xF80;
	s0 =	sadd.s32 $0x158200, s0;
	[dreg:$0x6] =	wrdreg s4  }
0x10: {  	s25 =	simm.s32 $0x980;
	s4 =	sshrl.u32 @!p0 s2, $0x3;
	[dreg:$0x5] =	wrdreg s0  }
0x11: {  	[dreg:$0x7] =	wrdreg s4;
	s0 =	sshrl.u32 s26, $0x3;
	s26 =	simm.s32 $0xD80  }
0x12: {  	s4 =	simm.s32 $0xB80;
	[dreg:$0x8] =	wrdreg s0;
	s0 =	simm.s32 $0xB00  }
.LBB2_1:
0x13: {  	[dreg:$0x4] =	wrdreg s3  }
0x14: {  	s3 =	rddreg [dreg:$0x1]  }
0x15: {  	s11 =	simm.s32 @!p0 $0x1C02;
	s12 =	rddreg [dreg:$0x7]  }
0x16: {  	[spmem:s12], [sflag:s11] =	dma.local @!p0 [hbm:s3], $0x13C00  }
0x17: {  	s11 =	simm.s32 @!p0 $0x2  }
0x18: {  	_ =	swait.ge @!p0 [sflag:s11], $0x13C00  }
0x19: {  	[sflag:s11] =	ssyncset.done @!p0 $0x0  }
0x1a: {  	[sflag:s11] =	ssyncadd.s32 @!p0 $0xFFFEC400  }
0x1b: {  	s11 =	simm.s32 $0x0;
	[bflag:$0x0] =	sbarrier.arrive $0xFFFF  }
.LBB2_2:
0x1c: {  	s12 =	sshll.u32 s11, $0xA  }
0x1d: {  	s12 =	sadd.s32 s9, s12  }
0x1e: {  	s12 =	sshrl.u32 s12, $0x3  }
0x1f: {  	s3 =	simm.s32 $0x0;
	s24 =	sadd.s32 s6, s12  }
0x20: {  	[tilespmem:s3], [sflag:$0x2] =	stream.linear.gather [hbm4b:s24+s3], $0x400, $0x38;
	[tilespmem:$0xCE00] =	vst v63  }
0x21: {  	_ =	swait.ge [sflag:s13], $0x400  }
0x22: {  	[sflag:s13] =	ssyncset.done $0x0  }
0x23: {  	s24 =	sadd.s32 s7, s12;
	[sflag:s13] =	ssyncadd.s32 $0xFFFFFC00  }
0x24: {  	[tilespmem:s14], [sflag:$0x2] =	stream.linear.gather [hbm4b:s24+s3], $0x400, $0x38;
	[tilespmem:$0xCE00] =	vst v63  }
0x25: {  	_ =	swait.ge [sflag:s13], $0x400  }
0x26: {  	[sflag:s13] =	ssyncset.done $0x0  }
0x27: {  	s12 =	sadd.s32 s8, s12;
	[sflag:s13] =	ssyncadd.s32 $0xFFFFFC00  }
0x28: {  	[tilespmem:s15], [sflag:$0x2] =	stream.linear.gather [hbm4b:s12+s3], $0x400, $0x38;
	[tilespmem:$0xCE00] =	vst v63  }
0x29: {  	_ =	swait.ge [sflag:s13], $0x400  }
0x2a: {  	[sflag:s13] =	ssyncset.done $0x0  }
0x2b: {  	s12 =	simm.s32 $0x0;
	[sflag:s13] =	ssyncadd.s32 $0xFFFFFC00  }
0x2c: {  	v1 =	vld [tilespmem:s12+$0x0];
	_ =	sdelay $0x1  }
0x2d: {  	v2 =	vld [tilespmem:s12+$0x400];
	_ =	sdelay $0x1  }
0x2e: {  	s24 =	simm.s32 $0x40  }
.LBB2_3:
0x2f: {  	s3 =	sshra.s32 s24, $0x2;
	p1 =	sne.s32 s24, $0xFC0;
	s24 =	sadd.s32 $0x40, s24;
	v3 =	vmul.u32 $0x2710, v1  }
.Ltmp0:
0x30: {  	v1 =	vld [tilespmem:s3+$0x0];
	(pc) =	sbr.rel @p1 .LBB2_3-.Ltmp0, $4  }
0x31: {  	v3 =	vadd.s32 v2, v3  }
0x32: {  	v2 =	vld [tilespmem:s3+$0x400];
	v3 =	vshll.u32 v3, $0x1  }
0x33: {  	v3 =	vor.u32 v0, v3  }
0x34: {  	[tilespmem:s12+$0x800] =	vst v3;
	s12 =	smov.u32 s3  }
0x35: {  	v1 =	vmul.u32 $0x2710, v1;
	_ =	sdelay $0x1  }
0x36: {  	v1 =	vadd.s32 v2, v1  }
0x37: {  	v1 =	vshll.u32 v1, $0x1  }
0x38: {  	v1 =	vor.u32 v0, v1  }
0x39: {  	[tilespmem:s12+$0x800] =	vst v1  }
0x3a: {  	[tilespmem:s18], [sflag:$0x1] =	stream.indirect.gather [hbm4b:s5+s16], $0x40, s17, s16, $0xb8;
	[tilespmem:$0xCE00] =	vst v63  }
0x3b: {  	_ =	swait.ge [sflag:s19], $0x2000  }
0x3c: {  	[sflag:s19] =	ssyncset.done $0x0  }
0x3d: {  	[sflag:s19] =	ssyncadd.s32 $0xFFFFE000  }
0x3e: {  	[spmem:s2] =	stream.indirect.scatter.add.f32 [tilespmem:s18], [sflag:$0x2], $0x40, s15, s16, $0xb8;
	[tilespmem:$0xCE00] =	vst v63  }
0x3f: {  	_ =	swait.ge [sflag:s13], $0x2000  }
0x40: {  	[sflag:s13] =	ssyncset.done $0x0  }
0x41: {  	[sflag:s13] =	ssyncadd.s32 $0xFFFFE000  }
0x42: {  	[tilespmem:s18], [sflag:$0x1] =	stream.indirect.gather [hbm4b:s5+s16], $0x40, s20, s16, $0xb8;
	[tilespmem:$0xCE00] =	vst v63  }
0x43: {  	_ =	swait.ge [sflag:s19], $0x2000  }
0x44: {  	[sflag:s19] =	ssyncset.done $0x0  }
0x45: {  	[sflag:s19] =	ssyncadd.s32 $0xFFFFE000  }
0x46: {  	[spmem:s2] =	stream.indirect.scatter.add.f32 [tilespmem:s18], [sflag:$0x2], $0x40, s21, s16, $0xb8;
	[tilespmem:$0xCE00] =	vst v63  }
0x47: {  	_ =	swait.ge [sflag:s13], $0x2000  }
0x48: {  	[sflag:s13] =	ssyncset.done $0x0  }
0x49: {  	[sflag:s13] =	ssyncadd.s32 $0xFFFFE000  }
0x4a: {  	[tilespmem:s18], [sflag:$0x1] =	stream.indirect.gather [hbm4b:s5+s16], $0x40, s22, s16, $0xb8;
	[tilespmem:$0xCE00] =	vst v63  }
0x4b: {  	_ =	swait.ge [sflag:s19], $0x2000  }
0x4c: {  	[sflag:s19] =	ssyncset.done $0x0  }
0x4d: {  	[sflag:s19] =	ssyncadd.s32 $0xFFFFE000  }
0x4e: {  	[spmem:s2] =	stream.indirect.scatter.add.f32 [tilespmem:s18], [sflag:$0x2], $0x40, s23, s16, $0xb8;
	[tilespmem:$0xCE00] =	vst v63  }
0x4f: {  	_ =	swait.ge [sflag:s13], $0x2000  }
0x50: {  	[sflag:s13] =	ssyncset.done $0x0  }
0x51: {  	[sflag:s13] =	ssyncadd.s32 $0xFFFFE000  }
0x52: {  	[tilespmem:s18], [sflag:$0x1] =	stream.indirect.gather [hbm4b:s5+s16], $0x40, s25, s16, $0xb8;
	[tilespmem:$0xCE00] =	vst v63  }
0x53: {  	_ =	swait.ge [sflag:s19], $0x2000  }
0x54: {  	[sflag:s19] =	ssyncset.done $0x0  }
0x55: {  	[sflag:s19] =	ssyncadd.s32 $0xFFFFE000  }
0x56: {  	[spmem:s2] =	stream.indirect.scatter.add.f32 [tilespmem:s18], [sflag:$0x2], $0x40, s26, s16, $0xb8;
	[tilespmem:$0xCE00] =	vst v63  }
0x57: {  	_ =	swait.ge [sflag:s13], $0x2000  }
0x58: {  	[sflag:s13] =	ssyncset.done $0x0  }
0x59: {  	[sflag:s13] =	ssyncadd.s32 $0xFFFFE000  }
0x5a: {  	[tilespmem:s18], [sflag:$0x1] =	stream.indirect.gather [hbm4b:s5+s16], $0x40, s28, s16, $0xb8;
	[tilespmem:$0xCE00] =	vst v63  }
0x5b: {  	_ =	swait.ge [sflag:s19], $0x2000  }
0x5c: {  	[sflag:s19] =	ssyncset.done $0x0  }
0x5d: {  	[sflag:s19] =	ssyncadd.s32 $0xFFFFE000  }
0x5e: {  	[spmem:s2] =	stream.indirect.scatter.add.f32 [tilespmem:s18], [sflag:$0x2], $0x40, s29, s16, $0xb8;
	[tilespmem:$0xCE00] =	vst v63  }
0x5f: {  	_ =	swait.ge [sflag:s13], $0x2000  }
0x60: {  	[sflag:s13] =	ssyncset.done $0x0  }
0x61: {  	[sflag:s13] =	ssyncadd.s32 $0xFFFFE000  }
0x62: {  	[tilespmem:s18], [sflag:$0x1] =	stream.indirect.gather [hbm4b:s5+s16], $0x40, s30, s16, $0xb8;
	[tilespmem:$0xCE00] =	vst v63  }
0x63: {  	_ =	swait.ge [sflag:s19], $0x2000  }
0x64: {  	[sflag:s19] =	ssyncset.done $0x0  }
0x65: {  	[sflag:s19] =	ssyncadd.s32 $0xFFFFE000  }
0x66: {  	[spmem:s2] =	stream.indirect.scatter.add.f32 [tilespmem:s18], [sflag:$0x2], $0x40, s31, s16, $0xb8;
	[tilespmem:$0xCE00] =	vst v63  }
0x67: {  	_ =	swait.ge [sflag:s13], $0x2000  }
0x68: {  	[sflag:s13] =	ssyncset.done $0x0  }
0x69: {  	[sflag:s13] =	ssyncadd.s32 $0xFFFFE000  }
0x6a: {  	[tilespmem:s18], [sflag:$0x1] =	stream.indirect.gather [hbm4b:s5+s16], $0x40, s0, s16, $0xb8;
	[tilespmem:$0xCE00] =	vst v63  }
0x6b: {  	_ =	swait.ge [sflag:s19], $0x2000  }
0x6c: {  	[sflag:s19] =	ssyncset.done $0x0  }
0x6d: {  	[sflag:s19] =	ssyncadd.s32 $0xFFFFE000  }
0x6e: {  	[spmem:s2] =	stream.indirect.scatter.add.f32 [tilespmem:s18], [sflag:$0x2], $0x40, s1, s16, $0xb8;
	[tilespmem:$0xCE00] =	vst v63  }
0x6f: {  	_ =	swait.ge [sflag:s13], $0x2000  }
0x70: {  	[sflag:s13] =	ssyncset.done $0x0  }
0x71: {  	[sflag:s13] =	ssyncadd.s32 $0xFFFFE000  }
0x72: {  	[tilespmem:s18], [sflag:$0x1] =	stream.indirect.gather [hbm4b:s5+s16], $0x40, s4, s16, $0xb8;
	[tilespmem:$0xCE00] =	vst v63  }
0x73: {  	s11 =	sadd.s32 $0x1, s11;
	_ =	swait.ge [sflag:s19], $0x2000  }
0x74: {  	p1 =	sne.s32 s11, $0x14;
	[sflag:s19] =	ssyncset.done $0x0  }
.Ltmp1:
0x75: {  	[sflag:s19] =	ssyncadd.s32 $0xFFFFE000;
	(pc) =	sbr.rel @p1 .LBB2_2-.Ltmp1, $4  }
0x76: {  	[spmem:s2] =	stream.indirect.scatter.add.f32 [tilespmem:s18], [sflag:$0x2], $0x40, s10, s16, $0xb8;
	[tilespmem:$0xCE00] =	vst v63  }
0x77: {  	_ =	swait.ge [sflag:s13], $0x2000  }
0x78: {  	[sflag:s13] =	ssyncset.done $0x0  }
0x79: {  	[sflag:s13] =	ssyncadd.s32 $0xFFFFE000  }
0x7a: {  	s3 =	stileid.u32;
	[bflag:$0x0] =	sbarrier.arrive $0xFFFF  }
0x7b: {  	s3 =	sshll.u32 s3, $0x6;
	s11 =	rddreg [dreg:$0x5]  }
0x7c: {  	s12 =	rddreg [dreg:$0x8];
	s3 =	sor.u32 $0x1C02, s3  }
0x7d: {  	[hbm:s11], [sflag:s3] =	dma.local [spmem:s12], $0x13C0  }
0x7e: {  	_ =	swait.ge [sflag:s13], $0x13C0  }
0x7f: {  	s12 =	rddreg [dreg:$0x4]  }
0x80: {  	s24 =	rddreg [dreg:$0x6];
	s3 =	sadd.s32 $0x1, s12  }
0x81: {  	p1 =	sne.s32 s3, s24  }
.Ltmp2:
0x82: {  	_ = 	snop;
	(pc) =	sbr.rel @p1 .LBB2_1-.Ltmp2, $3  }
0x83: {  	_ =	sdelay $0x1  }
0x84: {  	[sflag:s13] =	ssyncset.done $0x0  }
0x85: {  	[sflag:s13] =	ssyncadd.s32 $0xFFFFEC40  }
0x86: {  	_ =	sfence.sel $0x180000  }
0x87: {  	[bflag:$0x0] =	sbarrier.arrive $0xFFFF  }
0x88: {  	_ =	strace $0x9000004A  }
0x89: {  	[bflag:$0x2] =	sbarrier.arrive $0xFFFF  }
0x8a: {  	s0 =	rddreg [dreg:$0x3]  }
0x8b: {  	s0 =	sadd.s32 @!p0 $0x100000, s0  }
0x8c: {  	[sflag:s0] =	ssyncadd.tile.s32 @!p0 $0x1;
	_ =	shalt  }
.Lfunc_end2:
_tile_overlayer_lowered:
.L_overlay_start_2:
0x8d: {  	(tag) =	ssettag $0x2  }
0x8e: {  	s0 =	rddreg [dreg:$0x0];
	s2 =	stileid.u32  }
0x8f: {  	s1 =	rddreg [dreg:$0x1];
	p0 =	sne.s32 s2, $0x0  }
0x90: {  	s3 =	rddreg [dreg:$0x2];
	[bflag:$0x3] =	sbarrier.arrive $0xFFFF;
	s2 =	simm.s32 @!p0 $0x1C02  }
0x91: {  	[timem:s3], [sflag:s2] =	dma.local @!p0 [hbm:s0], s1  }
0x92: {  	s0 =	simm.s32 @!p0 $0x2  }
0x93: {  	_ =	swait.ge @!p0 [sflag:s0], s1  }
0x94: {  	s1 =	ssub.s32 @!p0 $0x0, s1;
	[sflag:s0] =	ssyncset.done @!p0 $0x0  }
0x95: {  	[sflag:s0] =	ssyncadd.s32 @!p0 s1  }
0x96: {  	[bflag:$0x3] =	sbarrier.arrive $0xFFFF  }
0x97: {  	_ =	shalt  }

// kernel: kernel.8.cloned.1.call-start
scs
__scs_entry_jumppad:
0x0: {  	(pc) =	sbr.rel $0x88, $3  }
0x1: {  	(tag) =	ssettag $0x0;
	lr =	simm.s32 $0x1  }
0x2: {  	[smem:$0x3F9B] =	sst lr;
	_ =	strace $0xD0000000  }
0x3: {  	_ = 	snop  }
0x4: {  	_ = 	snop  }
0x5: {  	_ = 	snop  }
0x6: {  	_ = 	snop  }
0x7: {  	_ = 	snop  }
__scs_overlays_trampoline_lowered:
0x8: {  	[smem:$0x3FAA] =	sst s0  }
0x9: {  	[smem:$0x3FAB] =	sst s1  }
0xa: {  	[smem:$0x3FAC] =	sst s2  }
0xb: {  	[smem:$0x3FAD] =	sst s3  }
0xc: {  	[smem:$0x3FAE] =	sst s4  }
0xd: {  	[smem:$0x3FAF] =	sst s5  }
0xe: {  	[smem:$0x3FB0] =	sst s6  }
0xf: {  	[smem:$0x3FB1] =	sst s7  }
0x10: {  	[smem:$0x3FB2] =	sst s8  }
0x11: {  	[smem:$0x3FB3] =	sst s9;
	s0 =	simm.s32 @!p0 $0x0  }
0x12: {  	s1 =	sld [smem:$0x3F99];
	s0 =	simm.s32 @p0 $0x1  }
0x13: {  	[smem:$0x3FB4] =	sst s0;
	s0 =	simm.s32 @!p1 $0x0  }
0x14: {  	s2 =	sld [smem:$0x3F98];
	s0 =	simm.s32 @p1 $0x1  }
0x15: {  	[smem:$0x3FB5] =	sst s0;
	s0 =	simm.s32 @!p2 $0x0  }
0x16: {  	s3 =	sld [smem:$0x3FDB];
	s0 =	simm.s32 @p2 $0x1  }
0x17: {  	s4 =	simm.s32 $0x1BF5;
	[smem:$0x3FB7] =	sst s0  }
0x18: {  	s0 =	sld [smem:$0x3F9A];
	_ =	swait.ge [sflag:s4], $0x0  }
0x19: {  	s7 =	sld [smem:$0x3F9B]  }
0x1a: {  	s8 =	sadd.s32 $0xFFFFE003, lr  }
0x1b: {  	s9 =	sadd.s32 $0xFFFFFEF7, lr;
	s5 =	simm.s32 $0xFFFFFFFF;
	p2 =	slt.u32 s8, $0xFFFFF086  }
0x1c: {  	p1 =	slt.u32 s9, $0xF7A;
	s5 =	simm.s32 @!p2 $0x0  }
0x1d: {  	s5 =	simm.s32 @p1 $0x1;
	p0 =	seq.s32 s7, s2  }
0x1e: {  	s7 =	smul.u32 @!p0 $0xF7A, s2;
	p2 =	seq.s32 @!p0 s5, $0x0  }
0x1f: {  	s9 =	smul.u32 $0xF7A, s1;
	s8 =	simm.s32 @!p0 $0x1BF5;
	p2 =	por !p2, p0  }
0x20: {  	[sflag:s8] =	ssyncset.s32 @!p0 $0xFFFFF086;
	s6 =	sadd.s32 @!p0 s3, s7;
	s7 =	simm.s32 @!p0 $0x108  }
0x21: {  	s3 =	sadd.s32 s3, s9;
	s6 =	sadd.s32 @!p0 $0x88, s6;
	s7 =	simm.s32 @p2 $0x1082  }
0x22: {  	[simem:s7], [sflag:s8] =	dma.local @!p0 [hbm:s6], $0xF7A  }
0x23: {  	s9 =	sor.u32 $0xD0000000, s2;
	s6 =	simm.s32 $0x108;
	_ =	swait.ge @!p0 [sflag:s8], $0x0  }
0x24: {  	s3 =	sadd.s32 $0x88, s3;
	s6 =	simm.s32 @!p1 $0x1082;
	[sflag:s4] =	ssyncset.s32 $0xFFFFF086  }
0x25: {  	[simem:s6], [sflag:s4] =	dma.local [hbm:s3], $0xF7A  }
0x26: {  	[smem:$0x3F9B] =	sst s1;
	(tag) =	ssettag s2;
	_ =	strace s9  }
0x27: {  	s1 =	sld [smem:$0x3FAB]  }
0x28: {  	s2 =	sld [smem:$0x3FAC]  }
0x29: {  	s4 =	sld [smem:$0x3FAE]  }
0x2a: {  	p0 =	seq.s32 s5, $0x0;
	s5 =	sld [smem:$0x3FAF]  }
0x2b: {  	s6 =	sld [smem:$0x3FB0]  }
0x2c: {  	s7 =	sld [smem:$0x3FB1]  }
0x2d: {  	s3 =	simm.s32 $0x108;
	s8 =	sld [smem:$0x3FB2]  }
0x2e: {  	s3 =	simm.s32 @!p0 $0x1082;
	s9 =	sld [smem:$0x3FB3]  }
0x2f: {  	lr =	sadd.s32 s0, s3;
	s0 =	sld [smem:$0x3FAA]  }
0x30: {  	s3 =	sld [smem:$0x3FAD]  }
0x31: {  	[smem:$0x3FB6] =	sst s10  }
0x32: {  	s10 =	sld [smem:$0x3FB4];
	_ =	sdelay $0x3  }
0x33: {  	p0 =	seq.s32 s10, $0x1;
	s10 =	sld [smem:$0x3FB6];
	_ =	sdelay $0x3  }
0x34: {  	[smem:$0x3FB6] =	sst s10  }
0x35: {  	s10 =	sld [smem:$0x3FB5];
	_ =	sdelay $0x3  }
0x36: {  	p1 =	seq.s32 s10, $0x1;
	s10 =	sld [smem:$0x3FB6];
	_ =	sdelay $0x3  }
0x37: {  	[smem:$0x3FB6] =	sst s10  }
0x38: {  	s10 =	sld [smem:$0x3FB7]  }
0x39: {  	_ = 	snop;
	(pc) =	sbr.ind lr, $3  }
0x3a: {  	_ = 	snop  }
0x3b: {  	_ = 	snop  }
0x3c: {  	p2 =	seq.s32 s10, $0x1;
	s10 =	sld [smem:$0x3FB6]  }
0x3d: {  	_ =	shalt  }
0x3e: {  	_ =	shalt  }
0x3f: {  	_ =	shalt  }
0x40: {  	_ =	shalt  }
0x41: {  	_ =	shalt  }
0x42: {  	_ =	shalt  }
0x43: {  	_ =	shalt  }
0x44: {  	_ =	shalt  }
0x45: {  	_ =	shalt  }
0x46: {  	_ =	shalt  }
0x47: {  	_ =	shalt  }
0x48: {  	_ =	shalt  }
0x49: {  	_ =	shalt  }
0x4a: {  	_ =	shalt  }
0x4b: {  	_ =	shalt  }
0x4c: {  	_ =	shalt  }
0x4d: {  	_ =	shalt  }
0x4e: {  	_ =	shalt  }
0x4f: {  	_ =	shalt  }
0x50: {  	_ =	shalt  }
0x51: {  	_ =	shalt  }
0x52: {  	_ =	shalt  }
0x53: {  	_ =	shalt  }
0x54: {  	_ =	shalt  }
0x55: {  	_ =	shalt  }
0x56: {  	_ =	shalt  }
0x57: {  	_ =	shalt  }
0x58: {  	_ =	shalt  }
0x59: {  	_ =	shalt  }
0x5a: {  	_ =	shalt  }
0x5b: {  	_ =	shalt  }
0x5c: {  	_ =	shalt  }
0x5d: {  	_ =	shalt  }
0x5e: {  	_ =	shalt  }
0x5f: {  	_ =	shalt  }
0x60: {  	_ =	shalt  }
0x61: {  	_ =	shalt  }
0x62: {  	_ =	shalt  }
0x63: {  	_ =	shalt  }
0x64: {  	_ =	shalt  }
0x65: {  	_ =	shalt  }
0x66: {  	_ =	shalt  }
0x67: {  	_ =	shalt  }
0x68: {  	_ =	shalt  }
0x69: {  	_ =	shalt  }
0x6a: {  	_ =	shalt  }
0x6b: {  	_ =	shalt  }
0x6c: {  	_ =	shalt  }
0x6d: {  	_ =	shalt  }
0x6e: {  	_ =	shalt  }
0x6f: {  	_ =	shalt  }
0x70: {  	_ =	shalt  }
0x71: {  	_ =	shalt  }
0x72: {  	_ =	shalt  }
0x73: {  	_ =	shalt  }
0x74: {  	_ =	shalt  }
0x75: {  	_ =	shalt  }
0x76: {  	_ =	shalt  }
0x77: {  	_ =	shalt  }
0x78: {  	_ =	shalt  }
0x79: {  	_ =	shalt  }
0x7a: {  	_ =	shalt  }
0x7b: {  	_ =	shalt  }
0x7c: {  	_ =	shalt  }
0x7d: {  	_ =	shalt  }
0x7e: {  	_ =	shalt  }
0x7f: {  	_ =	shalt  }
0x80: {  	_ =	shalt  }
0x81: {  	_ =	shalt  }
0x82: {  	_ =	shalt  }
0x83: {  	_ =	shalt  }
0x84: {  	_ =	shalt  }
0x85: {  	_ =	shalt  }
0x86: {  	_ =	shalt  }
0x87: {  	_ =	shalt  }
.Lfunc_end0:
.L_simem_size_0:
called_computation_lowered:
.L_overlay_start_0:
0x88: {  	s2 =	sld [smem:$0x3FD9]  }
0x89: {  	s3 =	sld [smem:$0x3FFE];
	_ =	sdelay $0x1  }
0x8a: {  	s1 =	srdreg.scid  }
0x8b: {  	s0 =	sand.u32 $0x1, s1  }
0x8c: {  	s17 =	sshll.u32 s0, $0xA;
	s2 =	sadd.s32 s3, s2  }
0x8d: {  	s2 =	sadd.s32 s2, s17  }
0x8e: {  	[smem:$0x3FC2] =	sst s2  }
0x8f: {  	_ = 	snop  }
0x90: {  	s2 =	sld [smem:$0x3FD0];
	(tm) =	ssettm $0x1  }
0x91: {  	s18 =	sld [smem:$0x3FFB];
	_ =	sdelay $0x3  }
0x92: {  	_ =	strace s18  }
0x93: {  	s3 =	sld [smem:$0x3FFC];
	_ =	sdelay $0x3  }
0x94: {  	_ =	strace s3  }
0x95: {  	s3 =	sld [smem:$0x3FFD];
	_ =	sdelay $0x3  }
0x96: {  	_ =	strace s3  }
0x97: {  	_ =	strace $0x8FFFFFFF  }
0x98: {  	s19 =	sld [smem:$0x3FDB];
	_ =	sdelay $0x1  }
0x99: {  	s4 =	simm.s32 $_scs_section_size  }
0x9a: {  	s5 =	simm.s32 $_size__tile_overlayer_lowered;
	s6 =	simm.s32 $_tile_overlayer_lowered  }
0x9b: {  	s22 =	simm.s32 $0x1BFF;
	s21 =	sshll.u32 s6, $0x1;
	s3 =	sadd.s32 s4, s19  }
0x9c: {  	s7 =	simm.s32 $0x0;
	s20 =	sshll.u32 s5, $0x1;
	s5 =	sadd.s32 s21, s3  }
0x9d: {  	[timem:s7], [sflag:s22] =	dma.local [hbm:s5], s20  }
0x9e: {  	_ =	swait.ge [sflag:s22], s20  }
0x9f: {  	s4 =	ssub.s32 $0x0, s20;
	[sflag:s22] =	ssyncset.done $0x0  }
0xa0: {  	[sflag:s22] =	ssyncadd.s32 s4;
	_ =	sdelay $0x1  }
0xa1: {  	s23 =	simm.s32 $0x1B8B  }
0xa2: {  	_ =	swait.ge [sflag:s23], $0x1  }
0xa3: {  	[sflag:s23] =	ssyncset.done $0x0  }
0xa4: {  	s25 =	simm.s32 $0x1B8E;
	s24 =	sld [smem:$0x3FFE];
	[sflag:s23] =	ssyncadd.s32 $0xFFFFFFFF  }
0xa5: {  	s26 =	simm.s32 $execute0_lowered;
	[smem:$0x3FD2] =	sst s25  }
0xa6: {  	s5 =	sshll.u32 s26, $0x1;
	_ =	strace $0x80000046;
	[dreg:$0x1] =	wrdreg $0xFFFFFFFF  }
0xa7: {  	s28 =	simm.s32 $_size_execute0_lowered;
	s3 =	sadd.s32 s3, s5;
	[dreg:$0x0] =	wrdreg $0x0  }
0xa8: {  	s5 =	sshll.u32 s28, $0x1;
	[dreg:$0x2] =	wrdreg s3  }
0xa9: {  	[dreg:$0x3] =	wrdreg s5  }
0xaa: {  	[dreg:$0x4] =	wrdreg $0xC0  }
0xab: {  	_ =	task [dreg:s7], $0x5FFFF  }
0xac: {  	[dreg:$0x1] =	wrdreg $0xFFFFFFFF  }
0xad: {  	[dreg:$0x0] =	wrdreg $0x60  }
0xae: {  	[dreg:$0x2] =	wrdreg s24  }
0xaf: {  	[dreg:$0x3] =	wrdreg s2  }
0xb0: {  	[dreg:$0x4] =	wrdreg $0x38000  }
0xb1: {  	[dreg:$0x5] =	wrdreg $0xD6000  }
0xb2: {  	[dreg:$0x6] =	wrdreg $0x9  }
0xb3: {  	_ =	task.clear_ibuf [dreg:s7], $0x7FFFF;
	_ =	strace $0x90000046  }
0xb4: {  	s29 =	simm.s32 $0x9;
	_ =	strace $0x80000048  }
0xb5: {  	_ =	swait.ge [sflag:s29], $0x1  }
0xb6: {  	[sflag:s29] =	ssyncadd.s32 $0xFFFFFFFF  }
0xb7: {  	_ =	strace $0x90000048  }
0xb8: {  	_ =	sfence  }
0xb9: {  	s30 =	sld [smem:$0x0];
	_ =	sdelay $0x2  }
0xba: {  	s31 =	sshll.u32 s1, $0xD;
	s1 =	sshrl.u32 s1, $0x2  }
0xbb: {  	s3 =	sand.u32 $0x4000, s31;
	s1 =	sadd.s32 s1, s30  }
0xbc: {  	s0 =	sor.u32 s3, s0;
	s1 =	sshll.u32 s1, $0x11  }
0xbd: {  	s0 =	sor.u32 s1, s0  }
0xbe: {  	s0 =	sadd.s32 $0x8F2B, s0  }
0xbf: {  	[sflag:s0] =	ssyncadd.remote.s32 $0x1  }
0xc0: {  	_ =	sfence.sel $0xFFFF  }
0xc1: {  	[dreg:$0x0] =	wrdreg $0xFFFFFFFF;
	(pc) =	sbr.abs _section_cstart, $3  }
0xc2: {  	[dreg:$0x1] =	wrdreg $0xFFFFFFFF  }
0xc3: {  	_ =	task.clear_ibuf [dreg:s7], $0x2FFFF;
	_ =	strace $0x9FFFFFFF  }
0xc4: {  	(tm) =	ssettm $0x7FFFFFFF  }
0xc5: {  	_ =	shalt  }
tec
execute0_lowered:
.L_overlay_start_1:
0x0: {  	(tag) =	ssettag $0x1  }
0x1: {  	s0 =	rddreg [dreg:$0x0]  }
0x2: {  	s2 =	rddreg [dreg:$0x2]  }
0x3: {  	s3 =	rddreg [dreg:$0x3]  }
0x4: {  	s1 =	srdreg.scid;
	s5 =	simm.s32 $0x0;
	s14 =	stileid.u32  }
0x5: {  	s22 =	simm.s32 $0xC00;
	s23 =	simm.s32 $0x80;
	s28 =	simm.s32 $0x1  }
0x6: {  	s29 =	simm.s32 $0x3;
	s30 =	simm.s32 $0x900;
	s31 =	simm.s32 $0xD00  }
0x7: {  	[smem:$0x7FF] =	sst s5;
	s18 =	smul.u32 $0x9E00, s14;
	s6 =	sadd.s32 $0x1FA00, s0  }
0x8: {  	s7 =	sadd.s32 $0x1A00, s0;
	s8 =	sadd.s32 $0xBA00, s0;
	s9 =	sadd.s32 $0x15A00, s0  }
0x9: {  	s4 =	sand.u32 $0x1, s1;
	s10 =	sadd.s32 $0x158200, s0;
	s19 =	sadd.s32 $0x158400, s0  }
0xa: {  	s20 =	smul.u32 $0x2780, s14;
	_ =	strace $0x80000047;
	[dreg:$0x5] =	wrdreg s10  }
0xb: {  	p1 =	seq.s32 s14, $0x1;
	s1 =	smul.u32 $0x9E000, s4;
	[dreg:$0x6] =	wrdreg s19  }
0xc: {  	s11 =	ssub.s32 $0x2, s4;
	p0 =	seq.s32 s4, $0x0;
	v0 =	vmov s4;
	s4 =	simm.s32 $0xB00  }
0xd: {  	s19 =	simm.s32 $0xF00;
	s10 =	simm.s32 $0x0;
	s12 =	sshrl.u32 s20, $0x3  }
0xe: {  	s13 =	sshrl.u32 s11, $0x1;
	p1 =	por !p1, !p0;
	s21 =	sadd.s32 s18, s2  }
0xf: {  	s24 =	sadd.s32 s20, s3;
	s20 =	simm.s32 $0x2;
	s1 =	sadd.s32 s18, s1  }
0x10: {  	s11 =	ssub.s32 s11, s13;
	p2 =	por !p1, !p1;
	p1 =	sne.s32 s14, $0x0  }
0x11: {  	[dreg:$0x9] =	wrdreg s24;
	s26 =	sshrl.u32 s21, $0x3;
	s1 =	sshrl.u32 s1, $0x3  }
0x12: {  	s25 =	smax.u32 s11, $0x1;
	[dreg:$0xd] =	wrdreg s26;
	s1 =	sadd.s32 s1, s0  }
0x13: {  	s0 =	sadd.s32 s12, s0;
	[dreg:$0xa] =	wrdreg s25;
	s1 =	sadd.s32 $0x162400, s1  }
0x14: {  	p2 =	por !p2, !p1;
	s0 =	sadd.s32 $0x15D400, s0;
	[dreg:$0x7] =	wrdreg s1  }
0x15: {  	s26 =	simm.s32 $0x1000;
	[dreg:$0x8] =	wrdreg s0;
	s0 =	sshrl.u32 @!p2 s3, $0x3  }
0x16: {  	s12 =	smul.u32 $0x5000, s14;
	[dreg:$0xb] =	wrdreg s0;
	s0 =	sshrl.u32 @!p1 s2, $0x3  }
0x17: {  	s1 =	simm.s32 $0xE00;
	[dreg:$0xc] =	wrdreg s0;
	s0 =	simm.s32 $0xA00  }
.LBB2_1:
0x18: {  	[dreg:$0xe] =	wrdreg s10  }
0x19: {  	s10 =	rddreg [dreg:$0x6]  }
0x1a: {  	s5 =	simm.s32 @!p2 $0x1C42;
	s11 =	rddreg [dreg:$0xb]  }
0x1b: {  	[spmem:s11], [sflag:s5] =	dma.local @!p2 [hbm:s10], $0x4F00  }
0x1c: {  	s5 =	simm.s32 @!p2 $0x2  }
0x1d: {  	_ =	swait.ge @!p2 [sflag:s5], $0x4F00  }
0x1e: {  	[sflag:s5] =	ssyncset.done @!p2 $0x0  }
0x1f: {  	s11 =	rddreg [dreg:$0xc];
	[sflag:s5] =	ssyncadd.s32 @!p2 $0xFFFFB100  }
0x20: {  	s5 =	simm.s32 @!p1 $0x1C02;
	s10 =	rddreg [dreg:$0x1]  }
0x21: {  	[spmem:s11], [sflag:s5] =	dma.local @!p1 [hbm:s10], $0x13C00  }
0x22: {  	s5 =	simm.s32 @!p1 $0x2  }
0x23: {  	_ =	swait.ge @!p1 [sflag:s5], $0x13C00  }
0x24: {  	s21 =	simm.s32 $0x0;
	[sflag:s5] =	ssyncset.done @!p1 $0x0  }
0x25: {  	s25 =	simm.s32 $0x3000;
	s24 =	rddreg [dreg:$0x5];
	[sflag:s5] =	ssyncadd.s32 @!p1 $0xFFFEC400  }
0x26: {  	[tilespmem:s25], [sflag:$0x2] =	stream.linear.gather [hbm4b:s24+s21], $0x800, $0x38;
	[tilespmem:$0xFD80] =	vst v63  }
0x27: {  	_ =	swait.ge [sflag:s20], $0x800  }
0x28: {  	p4 =	por @!p2 $0x1, $0x1;
	p3 =	por p0, p0;
	[sflag:s20] =	ssyncset.done $0x0  }
0x29: {  	p3 =	por @!p2 p4, p4;
	[sflag:s20] =	ssyncadd.s32 $0xFFFFF800  }
0x2a: {  	p3 =	por @!p1 p0, p0;
	s10 =	simm.s32 $0x0;
	[bflag:$0x0] =	sbarrier.arrive $0xFFFF  }
.LBB2_2:
0x2b: {  	s5 =	sshll.u32 s10, $0xA  }
0x2c: {  	s5 =	sadd.s32 s12, s5  }
0x2d: {  	s5 =	sshrl.u32 s5, $0x3  }
0x2e: {  	s13 =	simm.s32 $0x0;
	s11 =	sadd.s32 s7, s5  }
0x2f: {  	[tilespmem:s13], [sflag:$0x2] =	stream.linear.gather [hbm4b:s11+s13], $0x400, $0x38;
	[tilespmem:$0xFD80] =	vst v63  }
0x30: {  	_ =	swait.ge [sflag:s20], $0x400  }
0x31: {  	[sflag:s20] =	ssyncset.done $0x0  }
0x32: {  	s14 =	simm.s32 $0x400;
	s25 =	sadd.s32 s8, s5;
	[sflag:s20] =	ssyncadd.s32 $0xFFFFFC00  }
0x33: {  	[tilespmem:s14], [sflag:$0x2] =	stream.linear.gather [hbm4b:s25+s13], $0x400, $0x38;
	[tilespmem:$0xFD80] =	vst v63  }
0x34: {  	_ =	swait.ge [sflag:s20], $0x400  }
0x35: {  	[sflag:s20] =	ssyncset.done $0x0  }
0x36: {  	s5 =	sadd.s32 s9, s5;
	[sflag:s20] =	ssyncadd.s32 $0xFFFFFC00  }
0x37: {  	[tilespmem:s22], [sflag:$0x2] =	stream.linear.gather [hbm4b:s5+s13], $0x400, $0x38;
	[tilespmem:$0xFD80] =	vst v63  }
0x38: {  	_ =	swait.ge [sflag:s20], $0x400  }
0x39: {  	[sflag:s20] =	ssyncset.done $0x0  }
0x3a: {  	s5 =	simm.s32 $0x0;
	[sflag:s20] =	ssyncadd.s32 $0xFFFFFC00  }
0x3b: {  	v1 =	vld [tilespmem:s5+$0x0];
	_ =	sdelay $0x1  }
0x3c: {  	v2 =	vld [tilespmem:s5+$0x400];
	_ =	sdelay $0x1  }
0x3d: {  	s11 =	simm.s32 $0x40  }
.LBB2_3:
0x3e: {  	s13 =	sshra.s32 s11, $0x2;
	p4 =	sne.s32 s11, $0xFC0;
	s11 =	sadd.s32 $0x40, s11;
	v3 =	vmul.u32 $0x2710, v1  }
.Ltmp0:
0x3f: {  	v1 =	vld [tilespmem:s13+$0x0];
	(pc) =	sbr.rel @p4 .LBB2_3-.Ltmp0, $4  }
0x40: {  	v3 =	vadd.s32 v2, v3  }
0x41: {  	v2 =	vld [tilespmem:s13+$0x400];
	v3 =	vshll.u32 v3, $0x1  }
0x42: {  	v3 =	vor.u32 v0, v3  }
0x43: {  	[tilespmem:s5+$0x800] =	vst v3;
	s5 =	smov.u32 s13  }
0x44: {  	v1 =	vmul.u32 $0x2710, v1;
	_ =	sdelay $0x1  }
0x45: {  	v1 =	vadd.s32 v2, v1  }
0x46: {  	v1 =	vshll.u32 v1, $0x1  }
0x47: {  	v1 =	vor.u32 v0, v1  }
0x48: {  	s25 =	simm.s32 $0x800;
	[tilespmem:s5+$0x800] =	vst v1  }
0x49: {  	[tilespmem:s26], [sflag:$0x1] =	stream.indirect.gather [hbm4b:s6+s23], $0x40, s25, s23, $0xb8;
	[tilespmem:$0xFD80] =	vst v63  }
0x4a: {  	_ =	swait.ge [sflag:s28], $0x2000  }
0x4b: {  	[sflag:s28] =	ssyncset.done $0x0  }
0x4c: {  	[sflag:s28] =	ssyncadd.s32 $0xFFFFE000  }
0x4d: {  	[spmem:s2] =	stream.indirect.scatter.add.f32 [tilespmem:s26], [sflag:$0x3], $0x40, s22, s23, $0xb8;
	[tilespmem:$0xFD80] =	vst v63  }
0x4e: {  	_ =	swait.ge [sflag:s29], $0x2000  }
0x4f: {  	s15 =	simm.s32 @!p3 $0x80;
	s16 =	simm.s32 @!p3 $0x1000;
	[sflag:s29] =	ssyncset.done $0x0  }
0x50: {  	s17 =	simm.s32 @!p3 $0x1;
	s5 =	simm.s32 @!p3 $0x880;
	[sflag:s29] =	ssyncadd.s32 $0xFFFFE000  }
0x51: {  	[tilespmem:s16], [sflag:$0x1] =	stream.indirect.gather @!p3 [hbm4b:s6+s15], $0x40, s5, s15, $0xb8;
	[tilespmem:$0xFD80] =	vst v63  }
0x52: {  	_ =	swait.ge @!p3 [sflag:s17], $0x2000  }
0x53: {  	[sflag:s17] =	ssyncset.done @!p3 $0x0  }
0x54: {  	s18 =	simm.s32 @!p3 $0x3;
	s5 =	simm.s32 @!p3 $0xC80;
	[sflag:s17] =	ssyncadd.s32 @!p3 $0xFFFFE000  }
0x55: {  	[spmem:s2] =	stream.indirect.scatter.add.f32 @!p3 [tilespmem:s16], [sflag:$0x3], $0x40, s5, s15, $0xb8;
	[tilespmem:$0xFD80] =	vst v63  }
0x56: {  	_ =	swait.ge @!p3 [sflag:s18], $0x2000  }
0x57: {  	s13 =	simm.s32 @p3 $0x80;
	s14 =	simm.s32 @p3 $0x3000;
	[sflag:s18] =	ssyncset.done @!p3 $0x0  }
0x58: {  	s11 =	simm.s32 @p3 $0x2;
	s5 =	simm.s32 @p3 $0xC00;
	[sflag:s18] =	ssyncadd.s32 @!p3 $0xFFFFE000  }
0x59: {  	[spmem:s3] =	stream.indirect.scatter.add.f32 @p3 [tilespmem:s14], [sflag:$0x2], $0x10, s5, s13, $0xb8;
	[tilespmem:$0xFD80] =	vst v63  }
0x5a: {  	_ =	swait.ge @p3 [sflag:s11], $0x800  }
0x5b: {  	[sflag:s11] =	ssyncset.done @p3 $0x0  }
0x5c: {  	s24 =	simm.s32 @p3 $0x1000;
	s5 =	simm.s32 @p3 $0x880;
	[sflag:s11] =	ssyncadd.s32 @p3 $0xFFFFF800  }
0x5d: {  	[tilespmem:s24], [sflag:$0x1] =	stream.indirect.gather @p3 [hbm4b:s6+s13], $0x40, s5, s13, $0xb8;
	[tilespmem:$0xFD80] =	vst v63  }
0x5e: {  	s5 =	simm.s32 @p3 $0x1  }
0x5f: {  	_ =	swait.ge @p3 [sflag:s5], $0x2000  }
0x60: {  	[sflag:s5] =	ssyncset.done @p3 $0x0  }
0x61: {  	s21 =	simm.s32 @p3 $0x3;
	s25 =	simm.s32 @p3 $0xC80;
	[sflag:s5] =	ssyncadd.s32 @p3 $0xFFFFE000  }
0x62: {  	[spmem:s2] =	stream.indirect.scatter.add.f32 @p3 [tilespmem:s24], [sflag:$0x3], $0x40, s25, s13, $0xb8;
	[tilespmem:$0xFD80] =	vst v63  }
0x63: {  	_ =	swait.ge @p3 [sflag:s21], $0x2000  }
0x64: {  	[sflag:s21] =	ssyncset.done @p3 $0x0  }
0x65: {  	[sflag:s21] =	ssyncadd.s32 @p3 $0xFFFFE000  }
0x66: {  	[spmem:s3] =	stream.indirect.scatter.add.f32 @p3 [tilespmem:s14], [sflag:$0x2], $0x10, s25, s13, $0xb8;
	[tilespmem:$0xFD80] =	vst v63  }
0x67: {  	_ =	swait.ge @p3 [sflag:s11], $0x800  }
0x68: {  	[sflag:s11] =	ssyncset.done @p3 $0x0  }
0x69: {  	[sflag:s11] =	ssyncadd.s32 @p3 $0xFFFFF800  }
0x6a: {  	[tilespmem:s26], [sflag:$0x1] =	stream.indirect.gather [hbm4b:s6+s23], $0x40, s30, s23, $0xb8;
	[tilespmem:$0xFD80] =	vst v63  }
0x6b: {  	_ =	swait.ge [sflag:s28], $0x2000  }
0x6c: {  	[sflag:s28] =	ssyncset.done $0x0  }
0x6d: {  	[sflag:s28] =	ssyncadd.s32 $0xFFFFE000  }
0x6e: {  	[spmem:s2] =	stream.indirect.scatter.add.f32 [tilespmem:s26], [sflag:$0x3], $0x40, s31, s23, $0xb8;
	[tilespmem:$0xFD80] =	vst v63  }
0x6f: {  	_ =	swait.ge [sflag:s29], $0x2000  }
0x70: {  	[sflag:s29] =	ssyncset.done $0x0  }
0x71: {  	s25 =	simm.s32 @!p3 $0x980;
	[sflag:s29] =	ssyncadd.s32 $0xFFFFE000  }
0x72: {  	[tilespmem:s16], [sflag:$0x1] =	stream.indirect.gather @!p3 [hbm4b:s6+s15], $0x40, s25, s15, $0xb8;
	[tilespmem:$0xFD80] =	vst v63  }
0x73: {  	_ =	swait.ge @!p3 [sflag:s17], $0x2000  }
0x74: {  	[sflag:s17] =	ssyncset.done @!p3 $0x0  }
0x75: {  	s25 =	simm.s32 @!p3 $0xD80;
	[sflag:s17] =	ssyncadd.s32 @!p3 $0xFFFFE000  }
0x76: {  	[spmem:s2] =	stream.indirect.scatter.add.f32 @!p3 [tilespmem:s16], [sflag:$0x3], $0x40, s25, s15, $0xb8;
	[tilespmem:$0xFD80] =	vst v63  }
0x77: {  	_ =	swait.ge @!p3 [sflag:s18], $0x2000  }
0x78: {  	[sflag:s18] =	ssyncset.done @!p3 $0x0  }
0x79: {  	s25 =	simm.s32 @p3 $0xD00;
	[sflag:s18] =	ssyncadd.s32 @!p3 $0xFFFFE000  }
0x7a: {  	[spmem:s3] =	stream.indirect.scatter.add.f32 @p3 [tilespmem:s14], [sflag:$0x2], $0x10, s25, s13, $0xb8;
	[tilespmem:$0xFD80] =	vst v63  }
0x7b: {  	_ =	swait.ge @p3 [sflag:s11], $0x800  }
0x7c: {  	[sflag:s11] =	ssyncset.done @p3 $0x0  }
0x7d: {  	s25 =	simm.s32 @p3 $0x980;
	[sflag:s11] =	ssyncadd.s32 @p3 $0xFFFFF800  }
0x7e: {  	[tilespmem:s24], [sflag:$0x1] =	stream.indirect.gather @p3 [hbm4b:s6+s13], $0x40, s25, s13, $0xb8;
	[tilespmem:$0xFD80] =	vst v63  }
0x7f: {  	_ =	swait.ge @p3 [sflag:s5], $0x2000  }
0x80: {  	[sflag:s5] =	ssyncset.done @p3 $0x0  }
0x81: {  	s25 =	simm.s32 @p3 $0xD80;
	[sflag:s5] =	ssyncadd.s32 @p3 $0xFFFFE000  }
0x82: {  	[spmem:s2] =	stream.indirect.scatter.add.f32 @p3 [tilespmem:s24], [sflag:$0x3], $0x40, s25, s13, $0xb8;
	[tilespmem:$0xFD80] =	vst v63  }
0x83: {  	_ =	swait.ge @p3 [sflag:s21], $0x2000  }
0x84: {  	[sflag:s21] =	ssyncset.done @p3 $0x0  }
0x85: {  	[sflag:s21] =	ssyncadd.s32 @p3 $0xFFFFE000  }
0x86: {  	[spmem:s3] =	stream.indirect.scatter.add.f32 @p3 [tilespmem:s14], [sflag:$0x2], $0x10, s25, s13, $0xb8;
	[tilespmem:$0xFD80] =	vst v63  }
0x87: {  	_ =	swait.ge @p3 [sflag:s11], $0x800  }
0x88: {  	[sflag:s11] =	ssyncset.done @p3 $0x0  }
0x89: {  	[sflag:s11] =	ssyncadd.s32 @p3 $0xFFFFF800  }
0x8a: {  	[tilespmem:s26], [sflag:$0x1] =	stream.indirect.gather [hbm4b:s6+s23], $0x40, s0, s23, $0xb8;
	[tilespmem:$0xFD80] =	vst v63  }
0x8b: {  	_ =	swait.ge [sflag:s28], $0x2000  }
0x8c: {  	[sflag:s28] =	ssyncset.done $0x0  }
0x8d: {  	[sflag:s28] =	ssyncadd.s32 $0xFFFFE000  }
0x8e: {  	[spmem:s2] =	stream.indirect.scatter.add.f32 [tilespmem:s26], [sflag:$0x3], $0x40, s1, s23, $0xb8;
	[tilespmem:$0xFD80] =	vst v63  }
0x8f: {  	_ =	swait.ge [sflag:s29], $0x2000  }
0x90: {  	[sflag:s29] =	ssyncset.done $0x0  }
0x91: {  	s25 =	simm.s32 @!p3 $0xA80;
	[sflag:s29] =	ssyncadd.s32 $0xFFFFE000  }
0x92: {  	[tilespmem:s16], [sflag:$0x1] =	stream.indirect.gather @!p3 [hbm4b:s6+s15], $0x40, s25, s15, $0xb8;
	[tilespmem:$0xFD80] =	vst v63  }
0x93: {  	_ =	swait.ge @!p3 [sflag:s17], $0x2000  }
0x94: {  	[sflag:s17] =	ssyncset.done @!p3 $0x0  }
0x95: {  	s25 =	simm.s32 @!p3 $0xE80;
	[sflag:s17] =	ssyncadd.s32 @!p3 $0xFFFFE000  }
0x96: {  	[spmem:s2] =	stream.indirect.scatter.add.f32 @!p3 [tilespmem:s16], [sflag:$0x3], $0x40, s25, s15, $0xb8;
	[tilespmem:$0xFD80] =	vst v63  }
0x97: {  	_ =	swait.ge @!p3 [sflag:s18], $0x2000  }
0x98: {  	[sflag:s18] =	ssyncset.done @!p3 $0x0  }
0x99: {  	s25 =	simm.s32 @p3 $0xE00;
	[sflag:s18] =	ssyncadd.s32 @!p3 $0xFFFFE000  }
0x9a: {  	[spmem:s3] =	stream.indirect.scatter.add.f32 @p3 [tilespmem:s14], [sflag:$0x2], $0x10, s25, s13, $0xb8;
	[tilespmem:$0xFD80] =	vst v63  }
0x9b: {  	_ =	swait.ge @p3 [sflag:s11], $0x800  }
0x9c: {  	[sflag:s11] =	ssyncset.done @p3 $0x0  }
0x9d: {  	s25 =	simm.s32 @p3 $0xA80;
	[sflag:s11] =	ssyncadd.s32 @p3 $0xFFFFF800  }
0x9e: {  	[tilespmem:s24], [sflag:$0x1] =	stream.indirect.gather @p3 [hbm4b:s6+s13], $0x40, s25, s13, $0xb8;
	[tilespmem:$0xFD80] =	vst v63  }
0x9f: {  	_ =	swait.ge @p3 [sflag:s5], $0x2000  }
0xa0: {  	[sflag:s5] =	ssyncset.done @p3 $0x0  }
0xa1: {  	s25 =	simm.s32 @p3 $0xE80;
	[sflag:s5] =	ssyncadd.s32 @p3 $0xFFFFE000  }
0xa2: {  	[spmem:s2] =	stream.indirect.scatter.add.f32 @p3 [tilespmem:s24], [sflag:$0x3], $0x40, s25, s13, $0xb8;
	[tilespmem:$0xFD80] =	vst v63  }
0xa3: {  	_ =	swait.ge @p3 [sflag:s21], $0x2000  }
0xa4: {  	[sflag:s21] =	ssyncset.done @p3 $0x0  }
0xa5: {  	[sflag:s21] =	ssyncadd.s32 @p3 $0xFFFFE000  }
0xa6: {  	[spmem:s3] =	stream.indirect.scatter.add.f32 @p3 [tilespmem:s14], [sflag:$0x2], $0x10, s25, s13, $0xb8;
	[tilespmem:$0xFD80] =	vst v63  }
0xa7: {  	_ =	swait.ge @p3 [sflag:s11], $0x800  }
0xa8: {  	[sflag:s11] =	ssyncset.done @p3 $0x0  }
0xa9: {  	[sflag:s11] =	ssyncadd.s32 @p3 $0xFFFFF800  }
0xaa: {  	[tilespmem:s26], [sflag:$0x1] =	stream.indirect.gather [hbm4b:s6+s23], $0x40, s4, s23, $0xb8;
	[tilespmem:$0xFD80] =	vst v63  }
0xab: {  	_ =	swait.ge [sflag:s28], $0x2000  }
0xac: {  	[sflag:s28] =	ssyncset.done $0x0  }
0xad: {  	[sflag:s28] =	ssyncadd.s32 $0xFFFFE000  }
0xae: {  	[spmem:s2] =	stream.indirect.scatter.add.f32 [tilespmem:s26], [sflag:$0x3], $0x40, s19, s23, $0xb8;
	[tilespmem:$0xFD80] =	vst v63  }
0xaf: {  	_ =	swait.ge [sflag:s29], $0x2000  }
0xb0: {  	[sflag:s29] =	ssyncset.done $0x0  }
0xb1: {  	s25 =	simm.s32 @!p3 $0xB80;
	[sflag:s29] =	ssyncadd.s32 $0xFFFFE000  }
0xb2: {  	[tilespmem:s16], [sflag:$0x1] =	stream.indirect.gather @!p3 [hbm4b:s6+s15], $0x40, s25, s15, $0xb8;
	[tilespmem:$0xFD80] =	vst v63  }
0xb3: {  	_ =	swait.ge @!p3 [sflag:s17], $0x2000  }
0xb4: {  	[sflag:s17] =	ssyncset.done @!p3 $0x0  }
0xb5: {  	[sflag:s17] =	ssyncadd.s32 @!p3 $0xFFFFE000;
	s17 =	simm.s32 @!p3 $0xF80  }
0xb6: {  	[spmem:s2] =	stream.indirect.scatter.add.f32 @!p3 [tilespmem:s16], [sflag:$0x3], $0x40, s17, s15, $0xb8;
	[tilespmem:$0xFD80] =	vst v63  }
0xb7: {  	_ =	swait.ge @!p3 [sflag:s18], $0x2000  }
0xb8: {  	[sflag:s18] =	ssyncset.done @!p3 $0x0  }
0xb9: {  	s15 =	simm.s32 @p3 $0xF00;
	[sflag:s18] =	ssyncadd.s32 @!p3 $0xFFFFE000  }
0xba: {  	[spmem:s3] =	stream.indirect.scatter.add.f32 @p3 [tilespmem:s14], [sflag:$0x2], $0x10, s15, s13, $0xb8;
	[tilespmem:$0xFD80] =	vst v63  }
0xbb: {  	_ =	swait.ge @p3 [sflag:s11], $0x800  }
0xbc: {  	[sflag:s11] =	ssyncset.done @p3 $0x0  }
0xbd: {  	s15 =	simm.s32 @p3 $0xB80;
	[sflag:s11] =	ssyncadd.s32 @p3 $0xFFFFF800  }
0xbe: {  	[tilespmem:s24], [sflag:$0x1] =	stream.indirect.gather @p3 [hbm4b:s6+s13], $0x40, s15, s13, $0xb8;
	[tilespmem:$0xFD80] =	vst v63  }
0xbf: {  	_ =	swait.ge @p3 [sflag:s5], $0x2000  }
0xc0: {  	[sflag:s5] =	ssyncset.done @p3 $0x0  }
0xc1: {  	[sflag:s5] =	ssyncadd.s32 @p3 $0xFFFFE000;
	s5 =	simm.s32 @p3 $0xF80  }
0xc2: {  	[spmem:s2] =	stream.indirect.scatter.add.f32 @p3 [tilespmem:s24], [sflag:$0x3], $0x40, s5, s13, $0xb8;
	[tilespmem:$0xFD80] =	vst v63  }
0xc3: {  	s10 =	sadd.s32 $0x1, s10;
	_ =	swait.ge @p3 [sflag:s21], $0x2000  }
0xc4: {  	p4 =	sne.s32 s10, $0x14;
	[sflag:s21] =	ssyncset.done @p3 $0x0  }
.Ltmp1:
0xc5: {  	[sflag:s21] =	ssyncadd.s32 @p3 $0xFFFFE000;
	(pc) =	sbr.rel @p4 .LBB2_2-.Ltmp1, $4  }
0xc6: {  	[spmem:s3] =	stream.indirect.scatter.add.f32 @p3 [tilespmem:s14], [sflag:$0x2], $0x10, s5, s13, $0xb8;
	[tilespmem:$0xFD80] =	vst v63  }
0xc7: {  	_ =	swait.ge @p3 [sflag:s11], $0x800  }
0xc8: {  	[sflag:s11] =	ssyncset.done @p3 $0x0  }
0xc9: {  	[sflag:s11] =	ssyncadd.s32 @p3 $0xFFFFF800  }
0xca: {  	s5 =	stileid.u32;
	[bflag:$0x0] =	sbarrier.arrive $0xFFFF  }
0xcb: {  	s5 =	sshll.u32 s5, $0x6;
	s10 =	rddreg [dreg:$0x7]  }
0xcc: {  	s13 =	rddreg [dreg:$0xd];
	s5 =	sor.u32 $0x1C02, s5  }
0xcd: {  	[hbm:s10], [sflag:s5] =	dma.local [spmem:s13], $0x13C0  }
0xce: {  	_ =	swait.ge [sflag:s20], $0x13C0  }
0xcf: {  	[sflag:s20] =	ssyncset.done $0x0;
	s10 =	rddreg [dreg:$0x9]  }
0xd0: {  	s13 =	rddreg [dreg:$0x8];
	[sflag:s20] =	ssyncadd.s32 $0xFFFFEC40;
	s10 =	sshrl.u32 @p3 s10, $0x3  }
0xd1: {  	[hbm:s13], [sflag:s5] =	dma.local @p3 [spmem:s10], $0x4F0  }
0xd2: {  	_ =	swait.ge @p3 [sflag:s11], $0x4F0  }
0xd3: {  	s24 =	rddreg [dreg:$0xe]  }
0xd4: {  	s25 =	rddreg [dreg:$0xa];
	s10 =	sadd.s32 $0x1, s24  }
0xd5: {  	p4 =	sne.s32 s10, s25  }
.Ltmp2:
0xd6: {  	_ = 	snop;
	(pc) =	sbr.rel @p4 .LBB2_1-.Ltmp2, $3  }
0xd7: {  	_ =	sdelay $0x1  }
0xd8: {  	[sflag:s11] =	ssyncset.done @p3 $0x0  }
0xd9: {  	[sflag:s11] =	ssyncadd.s32 @p3 $0xFFFFFB10  }
0xda: {  	_ =	sfence.sel $0x180000  }
0xdb: {  	[bflag:$0x0] =	sbarrier.arrive $0xFFFF  }
0xdc: {  	_ =	strace $0x90000047  }
0xdd: {  	[bflag:$0x2] =	sbarrier.arrive $0xFFFF  }
0xde: {  	s0 =	rddreg [dreg:$0x4]  }
0xdf: {  	s0 =	sadd.s32 @!p1 $0x100000, s0  }
0xe0: {  	[sflag:s0] =	ssyncadd.tile.s32 @!p1 $0x1;
	_ =	shalt  }
.Lfunc_end2:
_tile_overlayer_lowered:
.L_overlay_start_2:
0xe1: {  	(tag) =	ssettag $0x2  }
0xe2: {  	s0 =	rddreg [dreg:$0x0];
	s2 =	stileid.u32  }
0xe3: {  	s1 =	rddreg [dreg:$0x1];
	p0 =	sne.s32 s2, $0x0  }
0xe4: {  	s3 =	rddreg [dreg:$0x2];
	[bflag:$0x3] =	sbarrier.arrive $0xFFFF;
	s2 =	simm.s32 @!p0 $0x1C02  }
0xe5: {  	[timem:s3], [sflag:s2] =	dma.local @!p0 [hbm:s0], s1  }
0xe6: {  	s0 =	simm.s32 @!p0 $0x2  }
0xe7: {  	_ =	swait.ge @!p0 [sflag:s0], s1  }
0xe8: {  	s1 =	ssub.s32 @!p0 $0x0, s1;
	[sflag:s0] =	ssyncset.done @!p0 $0x0  }
0xe9: {  	[sflag:s0] =	ssyncadd.s32 @!p0 s1  }
0xea: {  	[bflag:$0x3] =	sbarrier.arrive $0xFFFF  }
0xeb: {  	_ =	shalt  }

</sc_bundles>
